<compile_context>
chip_gen: v7x
topology: tpu7x:2x2x1
jax: 0.10.2.dev20260603
libtpu: 0.0.44.dev20260713+nightly
codegen_flags: <defaults>
</compile_context>

<pallas_src>
import jax
import jax.numpy as jnp
from jax import lax
from jax.experimental import pallas as pl
from jax.experimental.pallas import tpu as pltpu
from jax.experimental.pallas import tpu_sc as plsc

NC = 2
NS = 16
NW = NC * NS
C = 128
PAD_SPREAD = 64

_HIGH = jax.lax.Precision.HIGHEST


def _dot(a, b):
    return jax.lax.dot_general(a, b, (((1,), (0,)), ((), ())),
                               precision=_HIGH,
                               preferred_element_type=jnp.float32)


def _make_sc_accum(n_nodes, d, nch):
    na = n_nodes + PAD_SPREAD
    assert na % NS == 0 and d % 16 == 0 and (d * 4) % 64 == 0
    rps_acc = na // NS
    rps_out = (n_nodes // NS) & ~7
    rem_out = n_nodes - NS * rps_out
    mesh = plsc.VectorSubcoreMesh(core_axis_name="c", subcore_axis_name="s",
                                  num_cores=NC, num_subcores=NS)

    assert nch % 2 == 0 and nch >= 4

    def body(table, srcs, dsts, acc_out,
             src_v, dst_v, rows0, rows1, sem_g, sem_i, acc_sh):
        c = lax.axis_index("c")
        s = lax.axis_index("s")
        wid = s * NC + c
        z16 = jnp.zeros((16,), jnp.float32)

        @pl.loop(0, C)
        def _fill(r):
            for k in range(d // 16):
                rows0[r, pl.ds(k * 16, 16)] = z16

        base = s * rps_acc
        for k0 in range(0, rps_acc, C):
            sz = min(C, rps_acc - k0)
            pltpu.sync_copy(rows0.at[pl.ds(0, sz)],
                            acc_sh.at[pl.ds(base + k0, sz)])
        plsc.subcore_barrier()

        def idx_start(j, slot):
            eb = (wid * nch + j) * C
            pltpu.async_copy(srcs.at[pl.ds(eb, C)], src_v.at[slot], sem_i)
            pltpu.async_copy(dsts.at[pl.ds(eb, C)], dst_v.at[slot], sem_i)

        def idx_wait(slot):
            pltpu.make_async_copy(srcs.at[pl.ds(0, C)], src_v.at[slot],
                                  sem_i).wait()
            pltpu.make_async_copy(dsts.at[pl.ds(0, C)], dst_v.at[slot],
                                  sem_i).wait()

        def gather_start(slot, rows):
            pltpu.async_copy(table.at[src_v.at[slot]], rows, sem_g)

        def gather_wait(rows):
            pltpu.make_async_copy(table.at[pl.ds(0, C)], rows, sem_g).wait()

        def scatter(rows, slot):
            pltpu.sync_copy(rows, acc_sh.at[dst_v.at[slot]], add=True)

        idx_start(0, 0)
        idx_wait(0)
        gather_start(0, rows0)
        idx_start(1, 1)

        @pl.loop(0, nch // 2)
        def _pair(p):
            a = 2 * p
            gather_wait(rows0)
            idx_wait(1)
            gather_start(1, rows1)
            scatter(rows0, 0)
            @pl.when(a + 2 < nch)
            def _pf_a():
                idx_start(a + 2, 0)
            gather_wait(rows1)
            @pl.when(a + 2 < nch)
            def _g_a():
                idx_wait(0)
                gather_start(0, rows0)
            scatter(rows1, 1)
            @pl.when(a + 3 < nch)
            def _pf_b():
                idx_start(a + 3, 1)

        plsc.subcore_barrier()

        ob = s * rps_out
        pltpu.sync_copy(acc_sh.at[pl.ds(ob, rps_out)],
                        acc_out.at[c, pl.ds(ob, rps_out)])
        if rem_out:
            @pl.when(s == 0)
            def _tail():
                rb = NS * rps_out
                pltpu.sync_copy(acc_sh.at[pl.ds(rb, rem_out)],
                                acc_out.at[c, pl.ds(rb, rem_out)])

    return pl.kernel(
        body,
        out_type=[jax.ShapeDtypeStruct((NC, n_nodes, d), jnp.float32)],
        mesh=mesh,
        scratch_types=[
            pltpu.VMEM((2, C), jnp.int32),
            pltpu.VMEM((2, C), jnp.int32),
            pltpu.VMEM((C, d), jnp.float32),
            pltpu.VMEM((C, d), jnp.float32),
            pltpu.SemaphoreType.DMA,
            pltpu.SemaphoreType.DMA,
            pltpu.VMEM_SHARED((na, d), jnp.float32),
        ],
        compiler_params=pltpu.CompilerParams(use_tc_tiling_on_sc=False))


def _tc_mid(x_ref, ws1_ref, wn1_ref, b1_ref, ws2_ref, wn2_ref, b2_ref,
            acc_ref, p2_ref, s2_ref, inv_ref):
    d_in = x_ref.shape[1]
    deg = jnp.maximum(acc_ref[0, :, d_in:d_in + 1] + acc_ref[1, :, d_in:d_in + 1],
                      1.0)
    inv = 1.0 / deg
    mean1 = (acc_ref[0, :, :d_in] + acc_ref[1, :, :d_in]) * inv
    h1 = _dot(x_ref[...], ws1_ref[...]) + _dot(mean1, wn1_ref[...]) + b1_ref[...]
    h1 = jnp.maximum(h1, 0.0)
    p2_ref[...] = _dot(h1, wn2_ref[...])
    s2_ref[...] = _dot(h1, ws2_ref[...]) + b2_ref[...]
    inv_ref[...] = jnp.broadcast_to(inv, inv_ref.shape)


def _tc_final(s2_ref, acc_ref, inv_ref, o_ref):
    o_ref[...] = s2_ref[...] + (acc_ref[0] + acc_ref[1]) * inv_ref[:, 0:1]


def kernel(inputs, edge_index, W_self1, W_neigh1, b1, W_self2, W_neigh2, b2):
    n, d_in = inputs.shape
    d_hid = W_self1.shape[1]
    d_out = W_self2.shape[1]
    e = edge_index.shape[1]
    assert e % NW == 0
    epw = e // NW
    nch = -(-epw // C)
    nch += nch % 2
    npad = nch * C - epw
    d_aug = d_in + 16

    src = edge_index[0].reshape(NW, epw)
    dst = edge_index[1].reshape(NW, epw)
    pad_src = jnp.broadcast_to(jnp.arange(npad, dtype=jnp.int32) % PAD_SPREAD,
                               (NW, npad))
    pad_dst = pad_src + n
    srcs = jnp.concatenate([src, pad_src], axis=1).reshape(NW * nch * C)
    dsts = jnp.concatenate([dst, pad_dst], axis=1).reshape(NW * nch * C)

    xaug = jnp.concatenate(
        [inputs, jnp.ones((n, d_aug - d_in), jnp.float32)], axis=1)
    (acc1,) = _make_sc_accum(n, d_aug, nch)(xaug, srcs, dsts)

    R = 400
    grid = (n // R,)
    p2, s2, inv = pl.pallas_call(
        _tc_mid,
        grid=grid,
        in_specs=[
            pl.BlockSpec((R, d_in), lambda i: (i, 0)),
            pl.BlockSpec((d_in, d_hid), lambda i: (0, 0)),
            pl.BlockSpec((d_in, d_hid), lambda i: (0, 0)),
            pl.BlockSpec((1, d_hid), lambda i: (0, 0)),
            pl.BlockSpec((d_hid, d_out), lambda i: (0, 0)),
            pl.BlockSpec((d_hid, d_out), lambda i: (0, 0)),
            pl.BlockSpec((1, d_out), lambda i: (0, 0)),
            pl.BlockSpec((NC, R, d_aug), lambda i: (0, i, 0)),
        ],
        out_specs=[
            pl.BlockSpec((R, d_out), lambda i: (i, 0)),
            pl.BlockSpec((R, d_out), lambda i: (i, 0)),
            pl.BlockSpec((R, 8), lambda i: (i, 0)),
        ],
        out_shape=[
            jax.ShapeDtypeStruct((n, d_out), jnp.float32),
            jax.ShapeDtypeStruct((n, d_out), jnp.float32),
            jax.ShapeDtypeStruct((n, 8), jnp.float32),
        ],
    )(inputs, W_self1, W_neigh1, b1.reshape(1, d_hid), W_self2, W_neigh2,
      b2.reshape(1, d_out), acc1)

    (acc2,) = _make_sc_accum(n, d_out, nch)(p2, srcs, dsts)

    out = pl.pallas_call(
        _tc_final,
        grid=grid,
        in_specs=[
            pl.BlockSpec((R, d_out), lambda i: (i, 0)),
            pl.BlockSpec((NC, R, d_out), lambda i: (0, i, 0)),
            pl.BlockSpec((R, 8), lambda i: (i, 0)),
        ],
        out_specs=pl.BlockSpec((R, d_out), lambda i: (i, 0)),
        out_shape=jax.ShapeDtypeStruct((n, d_out), jnp.float32),
    )(s2, acc2, inv)
    return out

# --- scband reference (transcript-rebuilt; emitter-appended) ---
"""Pipeline reference for scband-graph-sage2-25159918420552 (READ-ONLY COPY).

The authoritative reference and input builder live on the scoring server;
editing this copy changes nothing except your own understanding.
"""

import jax, jax.numpy as jnp
import numpy as np

N = 10000
E = 320000
D_IN = 128
D_HID = 128
D_OUT = 64


def setup_inputs(seed: int = 0) -> dict:
    key = jax.random.key(seed)
    ks = jax.random.split(key, 9)
    inputs = jax.random.normal(ks[0], (N, D_IN), dtype=jnp.float32)
    edge_index = jax.random.randint(ks[1], (2, E), 0, N, dtype=jnp.int32)
    s = 0.05
    W_self1 = jax.random.normal(ks[2], (D_IN, D_HID), dtype=jnp.float32) * s
    W_neigh1 = jax.random.normal(ks[3], (D_IN, D_HID), dtype=jnp.float32) * s
    b1 = jnp.zeros((D_HID,), dtype=jnp.float32)
    W_self2 = jax.random.normal(ks[4], (D_HID, D_OUT), dtype=jnp.float32) * s
    W_neigh2 = jax.random.normal(ks[5], (D_HID, D_OUT), dtype=jnp.float32) * s
    b2 = jnp.zeros((D_OUT,), dtype=jnp.float32)
    return {
        "inputs": inputs,
        "edge_index": edge_index,
        "W_self1": W_self1,
        "W_neigh1": W_neigh1,
        "b1": b1,
        "W_self2": W_self2,
        "W_neigh2": W_neigh2,
        "b2": b2,
    }


def _sage_conv(h, src, dst, W_self, W_neigh, b):
    # DGL SAGEConv with 'mean' aggregator: fc_self(h) + fc_neigh(mean_neigh(h)) + bias
    msg = jnp.take(h, src, axis=0)
    neigh_sum = jax.ops.segment_sum(msg, dst, num_segments=N)
    deg = jax.ops.segment_sum(jnp.ones((E,), dtype=h.dtype), dst, num_segments=N)
    neigh_mean = neigh_sum / jnp.clip(deg, 1.0, None)[:, None]
    return h @ W_self + neigh_mean @ W_neigh + b


def reference(inputs, edge_index, W_self1, W_neigh1, b1, W_self2, W_neigh2, b2):
    src = edge_index[0]
    dst = edge_index[1]
    # dropout p=0.0 -> identity
    h = _sage_conv(inputs, src, dst, W_self1, W_neigh1, b1)
    h = jax.nn.relu(h)
    h = _sage_conv(h, src, dst, W_self2, W_neigh2, b2)
    return h

if __name__ == "__main__":
    import jax
    _d = setup_inputs()
    print(jax.jit(kernel)(*tuple(_d.values())))

</pallas_src>

<mosaic_0001>
#map = affine_map<(d0, d1) -> (0, 0)>
#map1 = affine_map<(d0, d1) -> (0)>
#map2 = affine_map<(d0, d1) -> (0, 0, 0)>
module attributes {stable_mosaic.version = 14 : i64} {
  func.func @body(%arg0: i32, %arg1: i32, %arg2: memref<10000x144xf32, #tpu.memory_space<hbm>>, %arg3: memref<327680xi32, #tpu.memory_space<hbm>>, %arg4: memref<327680xi32, #tpu.memory_space<hbm>>, %arg5: memref<2x10000x144xf32, #tpu.memory_space<hbm>>, %arg6: memref<2x128xi32, #tpu.memory_space<vmem>>, %arg7: memref<2x128xi32, #tpu.memory_space<vmem>>, %arg8: memref<128x144xf32, #tpu.memory_space<vmem>>, %arg9: memref<128x144xf32, #tpu.memory_space<vmem>>, %arg10: memref<!tpu.dma_semaphore, #tpu.memory_space<semaphore_mem>>, %arg11: memref<!tpu.dma_semaphore, #tpu.memory_space<semaphore_mem>>, %arg12: memref<10064x144xf32, #tpu.memory_space<vmem_shared>>) attributes {dimension_semantics = [#tpu.dimension_semantics<core_parallel>, #tpu.dimension_semantics<subcore_parallel>], iteration_bounds = array<i64: 2, 16>, scalar_prefetch = 0 : i64, scratch_operands = 7 : i64, tpu.core_type = #tpu.core_type<sc_vector_subcore>, window_params = [{transform_indices = #map}, {transform_indices = #map1}, {transform_indices = #map1}, {transform_indices = #map2}]} {
    %mul3A = arith.constant 2 : i32
    %mul3A_0 = arith.muli %arg1, %mul3A : i32
    %add3A = arith.addi %mul3A_0, %arg0 : i32
    %broadcast_in_dim3A = arith.constant 0.000000e+00 : f32
    %broadcast_in_dim3A_1 = vector.broadcast %broadcast_in_dim3A : f32 to vector<16xf32>
    %scan3A = arith.constant 0 : i32
    %scan3A_2 = arith.constant 128 : i32
    %scan3A_3 = arith.addi %scan3A, %scan3A_2 : i32
    %scan3A_4 = arith.constant 1 : i32
    scf.for %scan3A_103 = %scan3A to %scan3A_3 step %scan3A_4  : i32 {
      %mul3A_104 = arith.constant 1 : i32
      %mul3A_105 = arith.muli %scan3A_103, %mul3A_104 : i32
      %add3A_106 = arith.constant 0 : i32
      %add3A_107 = arith.addi %add3A_106, %mul3A_105 : i32
      %swap3A = arith.index_cast %add3A_107 : i32 to index
      %swap3A_108 = arith.constant 0 : index
      %swap3A_109 = tpu.vector_load %arg8[%swap3A, %swap3A_108] {strides = array<i32>} : memref<128x144xf32, #tpu.memory_space<vmem>>, vector<1x16xf32>,
      %swap3A_110 = vector.shape_cast %swap3A_109 : vector<1x16xf32> to vector<16xf32>
      %swap3A_111 = vector.shape_cast %broadcast_in_dim3A_1 : vector<16xf32> to vector<1x16xf32>
      tpu.vector_store %arg8[%swap3A, %swap3A_108], %swap3A_111 {strides = array<i32>} : memref<128x144xf32, #tpu.memory_space<vmem>>, vector<1x16xf32>,
      %swap3A_112 = arith.index_cast %add3A_107 : i32 to index
      %swap3A_113 = arith.constant 16 : index
      %swap3A_114 = tpu.vector_load %arg8[%swap3A_112, %swap3A_113] {strides = array<i32>} : memref<128x144xf32, #tpu.memory_space<vmem>>, vector<1x16xf32>,
      %swap3A_115 = vector.shape_cast %swap3A_114 : vector<1x16xf32> to vector<16xf32>
      %swap3A_116 = vector.shape_cast %broadcast_in_dim3A_1 : vector<16xf32> to vector<1x16xf32>
      tpu.vector_store %arg8[%swap3A_112, %swap3A_113], %swap3A_116 {strides = array<i32>} : memref<128x144xf32, #tpu.memory_space<vmem>>, vector<1x16xf32>,
      %swap3A_117 = arith.index_cast %add3A_107 : i32 to index
      %swap3A_118 = arith.constant 32 : index
      %swap3A_119 = tpu.vector_load %arg8[%swap3A_117, %swap3A_118] {strides = array<i32>} : memref<128x144xf32, #tpu.memory_space<vmem>>, vector<1x16xf32>,
      %swap3A_120 = vector.shape_cast %swap3A_119 : vector<1x16xf32> to vector<16xf32>
      %swap3A_121 = vector.shape_cast %broadcast_in_dim3A_1 : vector<16xf32> to vector<1x16xf32>
      tpu.vector_store %arg8[%swap3A_117, %swap3A_118], %swap3A_121 {strides = array<i32>} : memref<128x144xf32, #tpu.memory_space<vmem>>, vector<1x16xf32>,
      %swap3A_122 = arith.index_cast %add3A_107 : i32 to index
      %swap3A_123 = arith.constant 48 : index
      %swap3A_124 = tpu.vector_load %arg8[%swap3A_122, %swap3A_123] {strides = array<i32>} : memref<128x144xf32, #tpu.memory_space<vmem>>, vector<1x16xf32>,
      %swap3A_125 = vector.shape_cast %swap3A_124 : vector<1x16xf32> to vector<16xf32>
      %swap3A_126 = vector.shape_cast %broadcast_in_dim3A_1 : vector<16xf32> to vector<1x16xf32>
      tpu.vector_store %arg8[%swap3A_122, %swap3A_123], %swap3A_126 {strides = array<i32>} : memref<128x144xf32, #tpu.memory_space<vmem>>, vector<1x16xf32>,
      %swap3A_127 = arith.index_cast %add3A_107 : i32 to index
      %swap3A_128 = arith.constant 64 : index
      %swap3A_129 = tpu.vector_load %arg8[%swap3A_127, %swap3A_128] {strides = array<i32>} : memref<128x144xf32, #tpu.memory_space<vmem>>, vector<1x16xf32>,
      %swap3A_130 = vector.shape_cast %swap3A_129 : vector<1x16xf32> to vector<16xf32>
      %swap3A_131 = vector.shape_cast %broadcast_in_dim3A_1 : vector<16xf32> to vector<1x16xf32>
      tpu.vector_store %arg8[%swap3A_127, %swap3A_128], %swap3A_131 {strides = array<i32>} : memref<128x144xf32, #tpu.memory_space<vmem>>, vector<1x16xf32>,
      %swap3A_132 = arith.index_cast %add3A_107 : i32 to index
      %swap3A_133 = arith.constant 80 : index
      %swap3A_134 = tpu.vector_load %arg8[%swap3A_132, %swap3A_133] {strides = array<i32>} : memref<128x144xf32, #tpu.memory_space<vmem>>, vector<1x16xf32>,
      %swap3A_135 = vector.shape_cast %swap3A_134 : vector<1x16xf32> to vector<16xf32>
      %swap3A_136 = vector.shape_cast %broadcast_in_dim3A_1 : vector<16xf32> to vector<1x16xf32>
      tpu.vector_store %arg8[%swap3A_132, %swap3A_133], %swap3A_136 {strides = array<i32>} : memref<128x144xf32, #tpu.memory_space<vmem>>, vector<1x16xf32>,
      %swap3A_137 = arith.index_cast %add3A_107 : i32 to index
      %swap3A_138 = arith.constant 96 : index
      %swap3A_139 = tpu.vector_load %arg8[%swap3A_137, %swap3A_138] {strides = array<i32>} : memref<128x144xf32, #tpu.memory_space<vmem>>, vector<1x16xf32>,
      %swap3A_140 = vector.shape_cast %swap3A_139 : vector<1x16xf32> to vector<16xf32>
      %swap3A_141 = vector.shape_cast %broadcast_in_dim3A_1 : vector<16xf32> to vector<1x16xf32>
      tpu.vector_store %arg8[%swap3A_137, %swap3A_138], %swap3A_141 {strides = array<i32>} : memref<128x144xf32, #tpu.memory_space<vmem>>, vector<1x16xf32>,
      %swap3A_142 = arith.index_cast %add3A_107 : i32 to index
      %swap3A_143 = arith.constant 112 : index
      %swap3A_144 = tpu.vector_load %arg8[%swap3A_142, %swap3A_143] {strides = array<i32>} : memref<128x144xf32, #tpu.memory_space<vmem>>, vector<1x16xf32>,
      %swap3A_145 = vector.shape_cast %swap3A_144 : vector<1x16xf32> to vector<16xf32>
      %swap3A_146 = vector.shape_cast %broadcast_in_dim3A_1 : vector<16xf32> to vector<1x16xf32>
      tpu.vector_store %arg8[%swap3A_142, %swap3A_143], %swap3A_146 {strides = array<i32>} : memref<128x144xf32, #tpu.memory_space<vmem>>, vector<1x16xf32>,
      %swap3A_147 = arith.index_cast %add3A_107 : i32 to index
      %swap3A_148 = arith.constant 128 : index
      %swap3A_149 = tpu.vector_load %arg8[%swap3A_147, %swap3A_148] {strides = array<i32>} : memref<128x144xf32, #tpu.memory_space<vmem>>, vector<1x16xf32>,
      %swap3A_150 = vector.shape_cast %swap3A_149 : vector<1x16xf32> to vector<16xf32>
      %swap3A_151 = vector.shape_cast %broadcast_in_dim3A_1 : vector<16xf32> to vector<1x16xf32>
      tpu.vector_store %arg8[%swap3A_147, %swap3A_148], %swap3A_151 {strides = array<i32>} : memref<128x144xf32, #tpu.memory_space<vmem>>, vector<1x16xf32>,
    }
    %scan3A_5 = arith.constant 128 : i32
    %mul3A_6 = arith.constant 629 : i32
    %mul3A_7 = arith.muli %arg1, %mul3A_6 : i32
    %add3A_8 = arith.constant 0 : i32
    %add3A_9 = arith.addi %mul3A_7, %add3A_8 : i32
    "tpu.region"() ({
      %run_scoped3A = tpu.sem_alloc : memref<!tpu.dma_semaphore, #tpu.memory_space<semaphore_mem>>
      %dma_start3A_103 = arith.constant 0 : i32
      %dma_start3A_104 = arith.constant 0 : i32
      %dma_start3A_105 = tpu.memref_slice %arg8[%dma_start3A_103, %dma_start3A_104] : memref<128x144xf32, #tpu.memory_space<vmem>> -> memref<128x144xf32, #tpu.memory_space<vmem>>
      %dma_start3A_106 = arith.constant 0 : i32
      %dma_start3A_107 = tpu.memref_slice %arg12[%add3A_9, %dma_start3A_106] : memref<10064x144xf32, #tpu.memory_space<vmem_shared>> -> memref<128x144xf32, #tpu.memory_space<vmem_shared>>
      %dma_start3A_108 = arith.constant 0 : i32
      %dma_start3A_109 = tpu.memref_slice %arg12[%add3A_9, %dma_start3A_108] : memref<10064x144xf32, #tpu.memory_space<vmem_shared>> -> memref<128x144xf32, #tpu.memory_space<vmem_shared>>
      %dma_start3A_110 = arith.constant 0 : i32
      %dma_start3A_111 = arith.constant 0 : i32
      %dma_start3A_112 = tpu.memref_slice %arg8[%dma_start3A_110, %dma_start3A_111] : memref<128x144xf32, #tpu.memory_space<vmem>> -> memref<128x144xf32, #tpu.memory_space<vmem>>
      tpu.enqueue_dma source(%dma_start3A_112 : memref<128x144xf32, #tpu.memory_space<vmem>>) target(%dma_start3A_109 : memref<128x144xf32, #tpu.memory_space<vmem_shared>>) target_semaphore(%run_scoped3A : memref<!tpu.dma_semaphore, #tpu.memory_space<semaphore_mem>>)
      %dma_wait3A_113 = arith.constant 0 : i32
      %dma_wait3A_114 = arith.constant 0 : i32
      %dma_wait3A_115 = tpu.memref_slice %arg8[%dma_wait3A_113, %dma_wait3A_114] : memref<128x144xf32, #tpu.memory_space<vmem>> -> memref<128x144xf32, #tpu.memory_space<vmem>>
      %dma_wait3A_116 = arith.constant 0 : i32
      %dma_wait3A_117 = tpu.memref_slice %arg12[%add3A_9, %dma_wait3A_116] : memref<10064x144xf32, #tpu.memory_space<vmem_shared>> -> memref<128x144xf32, #tpu.memory_space<vmem_shared>>
      %dma_wait3A_118 = arith.constant 0 : i32
      %dma_wait3A_119 = tpu.memref_slice %arg12[%add3A_9, %dma_wait3A_118] : memref<10064x144xf32, #tpu.memory_space<vmem_shared>> -> memref<128x144xf32, #tpu.memory_space<vmem_shared>>
      %dma_wait3A_120 = arith.constant 0 : i32
      %dma_wait3A_121 = arith.constant 0 : i32
      %dma_wait3A_122 = tpu.memref_slice %arg8[%dma_wait3A_120, %dma_wait3A_121] : memref<128x144xf32, #tpu.memory_space<vmem>> -> memref<128x144xf32, #tpu.memory_space<vmem>>
      tpu.wait_dma2 semaphore(%run_scoped3A : memref<!tpu.dma_semaphore, #tpu.memory_space<semaphore_mem>>) src(%dma_wait3A_122 : memref<128x144xf32, #tpu.memory_space<vmem>>) dst(%dma_wait3A_119 : memref<128x144xf32, #tpu.memory_space<vmem_shared>>)
      tpu.yield
    }) : () -> ()
    %add3A_10 = arith.constant 128 : i32
    %add3A_11 = arith.addi %mul3A_7, %add3A_10 : i32
    "tpu.region"() ({
      %run_scoped3A = tpu.sem_alloc : memref<!tpu.dma_semaphore, #tpu.memory_space<semaphore_mem>>
      %dma_start3A_103 = arith.constant 0 : i32
      %dma_start3A_104 = arith.constant 0 : i32
      %dma_start3A_105 = tpu.memref_slice %arg8[%dma_start3A_103, %dma_start3A_104] : memref<128x144xf32, #tpu.memory_space<vmem>> -> memref<128x144xf32, #tpu.memory_space<vmem>>
      %dma_start3A_106 = arith.constant 0 : i32
      %dma_start3A_107 = tpu.memref_slice %arg12[%add3A_11, %dma_start3A_106] : memref<10064x144xf32, #tpu.memory_space<vmem_shared>> -> memref<128x144xf32, #tpu.memory_space<vmem_shared>>
      %dma_start3A_108 = arith.constant 0 : i32
      %dma_start3A_109 = tpu.memref_slice %arg12[%add3A_11, %dma_start3A_108] : memref<10064x144xf32, #tpu.memory_space<vmem_shared>> -> memref<128x144xf32, #tpu.memory_space<vmem_shared>>
      %dma_start3A_110 = arith.constant 0 : i32
      %dma_start3A_111 = arith.constant 0 : i32
      %dma_start3A_112 = tpu.memref_slice %arg8[%dma_start3A_110, %dma_start3A_111] : memref<128x144xf32, #tpu.memory_space<vmem>> -> memref<128x144xf32, #tpu.memory_space<vmem>>
      tpu.enqueue_dma source(%dma_start3A_112 : memref<128x144xf32, #tpu.memory_space<vmem>>) target(%dma_start3A_109 : memref<128x144xf32, #tpu.memory_space<vmem_shared>>) target_semaphore(%run_scoped3A : memref<!tpu.dma_semaphore, #tpu.memory_space<semaphore_mem>>)
      %dma_wait3A_113 = arith.constant 0 : i32
      %dma_wait3A_114 = arith.constant 0 : i32
      %dma_wait3A_115 = tpu.memref_slice %arg8[%dma_wait3A_113, %dma_wait3A_114] : memref<128x144xf32, #tpu.memory_space<vmem>> -> memref<128x144xf32, #tpu.memory_space<vmem>>
      %dma_wait3A_116 = arith.constant 0 : i32
      %dma_wait3A_117 = tpu.memref_slice %arg12[%add3A_11, %dma_wait3A_116] : memref<10064x144xf32, #tpu.memory_space<vmem_shared>> -> memref<128x144xf32, #tpu.memory_space<vmem_shared>>
      %dma_wait3A_118 = arith.constant 0 : i32
      %dma_wait3A_119 = tpu.memref_slice %arg12[%add3A_11, %dma_wait3A_118] : memref<10064x144xf32, #tpu.memory_space<vmem_shared>> -> memref<128x144xf32, #tpu.memory_space<vmem_shared>>
      %dma_wait3A_120 = arith.constant 0 : i32
      %dma_wait3A_121 = arith.constant 0 : i32
      %dma_wait3A_122 = tpu.memref_slice %arg8[%dma_wait3A_120, %dma_wait3A_121] : memref<128x144xf32, #tpu.memory_space<vmem>> -> memref<128x144xf32, #tpu.memory_space<vmem>>
      tpu.wait_dma2 semaphore(%run_scoped3A : memref<!tpu.dma_semaphore, #tpu.memory_space<semaphore_mem>>) src(%dma_wait3A_122 : memref<128x144xf32, #tpu.memory_space<vmem>>) dst(%dma_wait3A_119 : memref<128x144xf32, #tpu.memory_space<vmem_shared>>)
      tpu.yield
    }) : () -> ()
    %add3A_12 = arith.constant 256 : i32
    %add3A_13 = arith.addi %mul3A_7, %add3A_12 : i32
    "tpu.region"() ({
      %run_scoped3A = tpu.sem_alloc : memref<!tpu.dma_semaphore, #tpu.memory_space<semaphore_mem>>
      %dma_start3A_103 = arith.constant 0 : i32
      %dma_start3A_104 = arith.constant 0 : i32
      %dma_start3A_105 = tpu.memref_slice %arg8[%dma_start3A_103, %dma_start3A_104] : memref<128x144xf32, #tpu.memory_space<vmem>> -> memref<128x144xf32, #tpu.memory_space<vmem>>
      %dma_start3A_106 = arith.constant 0 : i32
      %dma_start3A_107 = tpu.memref_slice %arg12[%add3A_13, %dma_start3A_106] : memref<10064x144xf32, #tpu.memory_space<vmem_shared>> -> memref<128x144xf32, #tpu.memory_space<vmem_shared>>
      %dma_start3A_108 = arith.constant 0 : i32
      %dma_start3A_109 = tpu.memref_slice %arg12[%add3A_13, %dma_start3A_108] : memref<10064x144xf32, #tpu.memory_space<vmem_shared>> -> memref<128x144xf32, #tpu.memory_space<vmem_shared>>
      %dma_start3A_110 = arith.constant 0 : i32
      %dma_start3A_111 = arith.constant 0 : i32
      %dma_start3A_112 = tpu.memref_slice %arg8[%dma_start3A_110, %dma_start3A_111] : memref<128x144xf32, #tpu.memory_space<vmem>> -> memref<128x144xf32, #tpu.memory_space<vmem>>
      tpu.enqueue_dma source(%dma_start3A_112 : memref<128x144xf32, #tpu.memory_space<vmem>>) target(%dma_start3A_109 : memref<128x144xf32, #tpu.memory_space<vmem_shared>>) target_semaphore(%run_scoped3A : memref<!tpu.dma_semaphore, #tpu.memory_space<semaphore_mem>>)
      %dma_wait3A_113 = arith.constant 0 : i32
      %dma_wait3A_114 = arith.constant 0 : i32
      %dma_wait3A_115 = tpu.memref_slice %arg8[%dma_wait3A_113, %dma_wait3A_114] : memref<128x144xf32, #tpu.memory_space<vmem>> -> memref<128x144xf32, #tpu.memory_space<vmem>>
      %dma_wait3A_116 = arith.constant 0 : i32
      %dma_wait3A_117 = tpu.memref_slice %arg12[%add3A_13, %dma_wait3A_116] : memref<10064x144xf32, #tpu.memory_space<vmem_shared>> -> memref<128x144xf32, #tpu.memory_space<vmem_shared>>
      %dma_wait3A_118 = arith.constant 0 : i32
      %dma_wait3A_119 = tpu.memref_slice %arg12[%add3A_13, %dma_wait3A_118] : memref<10064x144xf32, #tpu.memory_space<vmem_shared>> -> memref<128x144xf32, #tpu.memory_space<vmem_shared>>
      %dma_wait3A_120 = arith.constant 0 : i32
      %dma_wait3A_121 = arith.constant 0 : i32
      %dma_wait3A_122 = tpu.memref_slice %arg8[%dma_wait3A_120, %dma_wait3A_121] : memref<128x144xf32, #tpu.memory_space<vmem>> -> memref<128x144xf32, #tpu.memory_space<vmem>>
      tpu.wait_dma2 semaphore(%run_scoped3A : memref<!tpu.dma_semaphore, #tpu.memory_space<semaphore_mem>>) src(%dma_wait3A_122 : memref<128x144xf32, #tpu.memory_space<vmem>>) dst(%dma_wait3A_119 : memref<128x144xf32, #tpu.memory_space<vmem_shared>>)
      tpu.yield
    }) : () -> ()
    %add3A_14 = arith.constant 384 : i32
    %add3A_15 = arith.addi %mul3A_7, %add3A_14 : i32
    "tpu.region"() ({
      %run_scoped3A = tpu.sem_alloc : memref<!tpu.dma_semaphore, #tpu.memory_space<semaphore_mem>>
      %dma_start3A_103 = arith.constant 0 : i32
      %dma_start3A_104 = arith.constant 0 : i32
      %dma_start3A_105 = tpu.memref_slice %arg8[%dma_start3A_103, %dma_start3A_104] : memref<128x144xf32, #tpu.memory_space<vmem>> -> memref<128x144xf32, #tpu.memory_space<vmem>>
      %dma_start3A_106 = arith.constant 0 : i32
      %dma_start3A_107 = tpu.memref_slice %arg12[%add3A_15, %dma_start3A_106] : memref<10064x144xf32, #tpu.memory_space<vmem_shared>> -> memref<128x144xf32, #tpu.memory_space<vmem_shared>>
      %dma_start3A_108 = arith.constant 0 : i32
      %dma_start3A_109 = tpu.memref_slice %arg12[%add3A_15, %dma_start3A_108] : memref<10064x144xf32, #tpu.memory_space<vmem_shared>> -> memref<128x144xf32, #tpu.memory_space<vmem_shared>>
      %dma_start3A_110 = arith.constant 0 : i32
      %dma_start3A_111 = arith.constant 0 : i32
      %dma_start3A_112 = tpu.memref_slice %arg8[%dma_start3A_110, %dma_start3A_111] : memref<128x144xf32, #tpu.memory_space<vmem>> -> memref<128x144xf32, #tpu.memory_space<vmem>>
      tpu.enqueue_dma source(%dma_start3A_112 : memref<128x144xf32, #tpu.memory_space<vmem>>) target(%dma_start3A_109 : memref<128x144xf32, #tpu.memory_space<vmem_shared>>) target_semaphore(%run_scoped3A : memref<!tpu.dma_semaphore, #tpu.memory_space<semaphore_mem>>)
      %dma_wait3A_113 = arith.constant 0 : i32
      %dma_wait3A_114 = arith.constant 0 : i32
      %dma_wait3A_115 = tpu.memref_slice %arg8[%dma_wait3A_113, %dma_wait3A_114] : memref<128x144xf32, #tpu.memory_space<vmem>> -> memref<128x144xf32, #tpu.memory_space<vmem>>
      %dma_wait3A_116 = arith.constant 0 : i32
      %dma_wait3A_117 = tpu.memref_slice %arg12[%add3A_15, %dma_wait3A_116] : memref<10064x144xf32, #tpu.memory_space<vmem_shared>> -> memref<128x144xf32, #tpu.memory_space<vmem_shared>>
      %dma_wait3A_118 = arith.constant 0 : i32
      %dma_wait3A_119 = tpu.memref_slice %arg12[%add3A_15, %dma_wait3A_118] : memref<10064x144xf32, #tpu.memory_space<vmem_shared>> -> memref<128x144xf32, #tpu.memory_space<vmem_shared>>
      %dma_wait3A_120 = arith.constant 0 : i32
      %dma_wait3A_121 = arith.constant 0 : i32
      %dma_wait3A_122 = tpu.memref_slice %arg8[%dma_wait3A_120, %dma_wait3A_121] : memref<128x144xf32, #tpu.memory_space<vmem>> -> memref<128x144xf32, #tpu.memory_space<vmem>>
      tpu.wait_dma2 semaphore(%run_scoped3A : memref<!tpu.dma_semaphore, #tpu.memory_space<semaphore_mem>>) src(%dma_wait3A_122 : memref<128x144xf32, #tpu.memory_space<vmem>>) dst(%dma_wait3A_119 : memref<128x144xf32, #tpu.memory_space<vmem_shared>>)
      tpu.yield
    }) : () -> ()
    %add3A_16 = arith.constant 512 : i32
    %add3A_17 = arith.addi %mul3A_7, %add3A_16 : i32
    "tpu.region"() ({
      %run_scoped3A = tpu.sem_alloc : memref<!tpu.dma_semaphore, #tpu.memory_space<semaphore_mem>>
      %dma_start3A_103 = arith.constant 0 : i32
      %dma_start3A_104 = arith.constant 0 : i32
      %dma_start3A_105 = tpu.memref_slice %arg8[%dma_start3A_103, %dma_start3A_104] : memref<128x144xf32, #tpu.memory_space<vmem>> -> memref<117x144xf32, #tpu.memory_space<vmem>>
      %dma_start3A_106 = arith.constant 0 : i32
      %dma_start3A_107 = tpu.memref_slice %arg12[%add3A_17, %dma_start3A_106] : memref<10064x144xf32, #tpu.memory_space<vmem_shared>> -> memref<117x144xf32, #tpu.memory_space<vmem_shared>>
      %dma_start3A_108 = arith.constant 0 : i32
      %dma_start3A_109 = tpu.memref_slice %arg12[%add3A_17, %dma_start3A_108] : memref<10064x144xf32, #tpu.memory_space<vmem_shared>> -> memref<117x144xf32, #tpu.memory_space<vmem_shared>>
      %dma_start3A_110 = arith.constant 0 : i32
      %dma_start3A_111 = arith.constant 0 : i32
      %dma_start3A_112 = tpu.memref_slice %arg8[%dma_start3A_110, %dma_start3A_111] : memref<128x144xf32, #tpu.memory_space<vmem>> -> memref<117x144xf32, #tpu.memory_space<vmem>>
      tpu.enqueue_dma source(%dma_start3A_112 : memref<117x144xf32, #tpu.memory_space<vmem>>) target(%dma_start3A_109 : memref<117x144xf32, #tpu.memory_space<vmem_shared>>) target_semaphore(%run_scoped3A : memref<!tpu.dma_semaphore, #tpu.memory_space<semaphore_mem>>)
      %dma_wait3A_113 = arith.constant 0 : i32
      %dma_wait3A_114 = arith.constant 0 : i32
      %dma_wait3A_115 = tpu.memref_slice %arg8[%dma_wait3A_113, %dma_wait3A_114] : memref<128x144xf32, #tpu.memory_space<vmem>> -> memref<117x144xf32, #tpu.memory_space<vmem>>
      %dma_wait3A_116 = arith.constant 0 : i32
      %dma_wait3A_117 = tpu.memref_slice %arg12[%add3A_17, %dma_wait3A_116] : memref<10064x144xf32, #tpu.memory_space<vmem_shared>> -> memref<117x144xf32, #tpu.memory_space<vmem_shared>>
      %dma_wait3A_118 = arith.constant 0 : i32
      %dma_wait3A_119 = tpu.memref_slice %arg12[%add3A_17, %dma_wait3A_118] : memref<10064x144xf32, #tpu.memory_space<vmem_shared>> -> memref<117x144xf32, #tpu.memory_space<vmem_shared>>
      %dma_wait3A_120 = arith.constant 0 : i32
      %dma_wait3A_121 = arith.constant 0 : i32
      %dma_wait3A_122 = tpu.memref_slice %arg8[%dma_wait3A_120, %dma_wait3A_121] : memref<128x144xf32, #tpu.memory_space<vmem>> -> memref<117x144xf32, #tpu.memory_space<vmem>>
      tpu.wait_dma2 semaphore(%run_scoped3A : memref<!tpu.dma_semaphore, #tpu.memory_space<semaphore_mem>>) src(%dma_wait3A_122 : memref<117x144xf32, #tpu.memory_space<vmem>>) dst(%dma_wait3A_119 : memref<117x144xf32, #tpu.memory_space<vmem_shared>>)
      tpu.yield
    }) : () -> ()
    %barrier3A = arith.constant 0 : index
    tpu.barrier barrier_id(%barrier3A)
    %mul3A_18 = arith.constant 80 : i32
    %mul3A_19 = arith.muli %add3A, %mul3A_18 : i32
    %add3A_20 = arith.constant 0 : i32
    %add3A_21 = arith.addi %mul3A_19, %add3A_20 : i32
    %mul3A_22 = arith.constant 128 : i32
    %mul3A_23 = arith.muli %add3A_21, %mul3A_22 : i32
    %dma_start3A = arith.constant 0 : i32
    %dma_start3A_24 = arith.constant 0 : i32
    %dma_start3A_25 = tpu.memref_slice %arg6[%dma_start3A, %dma_start3A_24] : memref<2x128xi32, #tpu.memory_space<vmem>> -> memref<1x128xi32, #tpu.memory_space<vmem>>
    %dma_start3A_26 = tpu.memref_squeeze %dma_start3A_25 : memref<1x128xi32, #tpu.memory_space<vmem>> -> memref<128xi32, #tpu.memory_space<vmem>>
    %dma_start3A_27 = tpu.memref_slice %arg3[%mul3A_23] : memref<327680xi32, #tpu.memory_space<hbm>> -> memref<128xi32, #tpu.memory_space<hbm>>
    %dma_start3A_28 = arith.constant 0 : i32
    %dma_start3A_29 = tpu.memref_slice %arg6[%dma_start3A, %dma_start3A_28] : memref<2x128xi32, #tpu.memory_space<vmem>> -> memref<1x128xi32, #tpu.memory_space<vmem>>
    %dma_start3A_30 = tpu.memref_squeeze %dma_start3A_29 : memref<1x128xi32, #tpu.memory_space<vmem>> -> memref<128xi32, #tpu.memory_space<vmem>>
    %dma_start3A_31 = tpu.memref_slice %arg3[%mul3A_23] : memref<327680xi32, #tpu.memory_space<hbm>> -> memref<128xi32, #tpu.memory_space<hbm>>
    tpu.enqueue_dma source(%dma_start3A_31 : memref<128xi32, #tpu.memory_space<hbm>>) target(%dma_start3A_30 : memref<128xi32, #tpu.memory_space<vmem>>) target_semaphore(%arg11 : memref<!tpu.dma_semaphore, #tpu.memory_space<semaphore_mem>>)
    %dma_start3A_32 = arith.constant 0 : i32
    %dma_start3A_33 = arith.constant 0 : i32
    %dma_start3A_34 = tpu.memref_slice %arg7[%dma_start3A_32, %dma_start3A_33] : memref<2x128xi32, #tpu.memory_space<vmem>> -> memref<1x128xi32, #tpu.memory_space<vmem>>
    %dma_start3A_35 = tpu.memref_squeeze %dma_start3A_34 : memref<1x128xi32, #tpu.memory_space<vmem>> -> memref<128xi32, #tpu.memory_space<vmem>>
    %dma_start3A_36 = tpu.memref_slice %arg4[%mul3A_23] : memref<327680xi32, #tpu.memory_space<hbm>> -> memref<128xi32, #tpu.memory_space<hbm>>
    %dma_start3A_37 = arith.constant 0 : i32
    %dma_start3A_38 = tpu.memref_slice %arg7[%dma_start3A_32, %dma_start3A_37] : memref<2x128xi32, #tpu.memory_space<vmem>> -> memref<1x128xi32, #tpu.memory_space<vmem>>
    %dma_start3A_39 = tpu.memref_squeeze %dma_start3A_38 : memref<1x128xi32, #tpu.memory_space<vmem>> -> memref<128xi32, #tpu.memory_space<vmem>>
    %dma_start3A_40 = tpu.memref_slice %arg4[%mul3A_23] : memref<327680xi32, #tpu.memory_space<hbm>> -> memref<128xi32, #tpu.memory_space<hbm>>
    tpu.enqueue_dma source(%dma_start3A_40 : memref<128xi32, #tpu.memory_space<hbm>>) target(%dma_start3A_39 : memref<128xi32, #tpu.memory_space<vmem>>) target_semaphore(%arg11 : memref<!tpu.dma_semaphore, #tpu.memory_space<semaphore_mem>>)
    %dma_wait3A = arith.constant 0 : i32
    %dma_wait3A_41 = arith.constant 0 : i32
    %dma_wait3A_42 = tpu.memref_slice %arg6[%dma_wait3A, %dma_wait3A_41] : memref<2x128xi32, #tpu.memory_space<vmem>> -> memref<1x128xi32, #tpu.memory_space<vmem>>
    %dma_wait3A_43 = tpu.memref_squeeze %dma_wait3A_42 : memref<1x128xi32, #tpu.memory_space<vmem>> -> memref<128xi32, #tpu.memory_space<vmem>>
    %dma_wait3A_44 = arith.constant 0 : i32
    %dma_wait3A_45 = tpu.memref_slice %arg3[%dma_wait3A_44] : memref<327680xi32, #tpu.memory_space<hbm>> -> memref<128xi32, #tpu.memory_space<hbm>>
    %dma_wait3A_46 = arith.constant 0 : i32
    %dma_wait3A_47 = tpu.memref_slice %arg6[%dma_wait3A, %dma_wait3A_46] : memref<2x128xi32, #tpu.memory_space<vmem>> -> memref<1x128xi32, #tpu.memory_space<vmem>>
    %dma_wait3A_48 = tpu.memref_squeeze %dma_wait3A_47 : memref<1x128xi32, #tpu.memory_space<vmem>> -> memref<128xi32, #tpu.memory_space<vmem>>
    %dma_wait3A_49 = arith.constant 0 : i32
    %dma_wait3A_50 = tpu.memref_slice %arg3[%dma_wait3A_49] : memref<327680xi32, #tpu.memory_space<hbm>> -> memref<128xi32, #tpu.memory_space<hbm>>
    tpu.wait_dma2 semaphore(%arg11 : memref<!tpu.dma_semaphore, #tpu.memory_space<semaphore_mem>>) src(%dma_wait3A_50 : memref<128xi32, #tpu.memory_space<hbm>>) dst(%dma_wait3A_48 : memref<128xi32, #tpu.memory_space<vmem>>)
    %dma_wait3A_51 = arith.constant 0 : i32
    %dma_wait3A_52 = arith.constant 0 : i32
    %dma_wait3A_53 = tpu.memref_slice %arg7[%dma_wait3A_51, %dma_wait3A_52] : memref<2x128xi32, #tpu.memory_space<vmem>> -> memref<1x128xi32, #tpu.memory_space<vmem>>
    %dma_wait3A_54 = tpu.memref_squeeze %dma_wait3A_53 : memref<1x128xi32, #tpu.memory_space<vmem>> -> memref<128xi32, #tpu.memory_space<vmem>>
    %dma_wait3A_55 = arith.constant 0 : i32
    %dma_wait3A_56 = tpu.memref_slice %arg4[%dma_wait3A_55] : memref<327680xi32, #tpu.memory_space<hbm>> -> memref<128xi32, #tpu.memory_space<hbm>>
    %dma_wait3A_57 = arith.constant 0 : i32
    %dma_wait3A_58 = tpu.memref_slice %arg7[%dma_wait3A_51, %dma_wait3A_57] : memref<2x128xi32, #tpu.memory_space<vmem>> -> memref<1x128xi32, #tpu.memory_space<vmem>>
    %dma_wait3A_59 = tpu.memref_squeeze %dma_wait3A_58 : memref<1x128xi32, #tpu.memory_space<vmem>> -> memref<128xi32, #tpu.memory_space<vmem>>
    %dma_wait3A_60 = arith.constant 0 : i32
    %dma_wait3A_61 = tpu.memref_slice %arg4[%dma_wait3A_60] : memref<327680xi32, #tpu.memory_space<hbm>> -> memref<128xi32, #tpu.memory_space<hbm>>
    tpu.wait_dma2 semaphore(%arg11 : memref<!tpu.dma_semaphore, #tpu.memory_space<semaphore_mem>>) src(%dma_wait3A_61 : memref<128xi32, #tpu.memory_space<hbm>>) dst(%dma_wait3A_59 : memref<128xi32, #tpu.memory_space<vmem>>)
    %dma_start3A_62 = arith.constant 0 : i32
    %dma_start3A_63 = arith.constant 0 : i32
    %dma_start3A_64 = tpu.memref_slice %arg6[%dma_start3A_62, %dma_start3A_63] : memref<2x128xi32, #tpu.memory_space<vmem>> -> memref<1x128xi32, #tpu.memory_space<vmem>>
    %dma_start3A_65 = tpu.memref_squeeze %dma_start3A_64 : memref<1x128xi32, #tpu.memory_space<vmem>> -> memref<128xi32, #tpu.memory_space<vmem>>
    %dma_start3A_66 = arith.constant 0 : i32
    %dma_start3A_67 = arith.constant 0 : i32
    %dma_start3A_68 = tpu.memref_slice %arg2[%dma_start3A_66, %dma_start3A_67] : memref<10000x144xf32, #tpu.memory_space<hbm>> -> memref<10000x144xf32, #tpu.memory_space<hbm>>
    tpu.enqueue_indirect_dma source(%dma_start3A_68 : memref<10000x144xf32, #tpu.memory_space<hbm>>) target(%arg8 : memref<128x144xf32, #tpu.memory_space<vmem>>) offsets(%dma_start3A_65 : memref<128xi32, #tpu.memory_space<vmem>>) semaphore(%arg10 : memref<!tpu.dma_semaphore, #tpu.memory_space<semaphore_mem>>)
    %mul3A_69 = arith.constant 80 : i32
    %mul3A_70 = arith.muli %add3A, %mul3A_69 : i32
    %add3A_71 = arith.constant 1 : i32
    %add3A_72 = arith.addi %mul3A_70, %add3A_71 : i32
    %mul3A_73 = arith.constant 128 : i32
    %mul3A_74 = arith.muli %add3A_72, %mul3A_73 : i32
    %dma_start3A_75 = arith.constant 1 : i32
    %dma_start3A_76 = arith.constant 0 : i32
    %dma_start3A_77 = tpu.memref_slice %arg6[%dma_start3A_75, %dma_start3A_76] : memref<2x128xi32, #tpu.memory_space<vmem>> -> memref<1x128xi32, #tpu.memory_space<vmem>>
    %dma_start3A_78 = tpu.memref_squeeze %dma_start3A_77 : memref<1x128xi32, #tpu.memory_space<vmem>> -> memref<128xi32, #tpu.memory_space<vmem>>
    %dma_start3A_79 = tpu.memref_slice %arg3[%mul3A_74] : memref<327680xi32, #tpu.memory_space<hbm>> -> memref<128xi32, #tpu.memory_space<hbm>>
    %dma_start3A_80 = arith.constant 0 : i32
    %dma_start3A_81 = tpu.memref_slice %arg6[%dma_start3A_75, %dma_start3A_80] : memref<2x128xi32, #tpu.memory_space<vmem>> -> memref<1x128xi32, #tpu.memory_space<vmem>>
    %dma_start3A_82 = tpu.memref_squeeze %dma_start3A_81 : memref<1x128xi32, #tpu.memory_space<vmem>> -> memref<128xi32, #tpu.memory_space<vmem>>
    %dma_start3A_83 = tpu.memref_slice %arg3[%mul3A_74] : memref<327680xi32, #tpu.memory_space<hbm>> -> memref<128xi32, #tpu.memory_space<hbm>>
    tpu.enqueue_dma source(%dma_start3A_83 : memref<128xi32, #tpu.memory_space<hbm>>) target(%dma_start3A_82 : memref<128xi32, #tpu.memory_space<vmem>>) target_semaphore(%arg11 : memref<!tpu.dma_semaphore, #tpu.memory_space<semaphore_mem>>)
    %dma_start3A_84 = arith.constant 1 : i32
    %dma_start3A_85 = arith.constant 0 : i32
    %dma_start3A_86 = tpu.memref_slice %arg7[%dma_start3A_84, %dma_start3A_85] : memref<2x128xi32, #tpu.memory_space<vmem>> -> memref<1x128xi32, #tpu.memory_space<vmem>>
    %dma_start3A_87 = tpu.memref_squeeze %dma_start3A_86 : memref<1x128xi32, #tpu.memory_space<vmem>> -> memref<128xi32, #tpu.memory_space<vmem>>
    %dma_start3A_88 = tpu.memref_slice %arg4[%mul3A_74] : memref<327680xi32, #tpu.memory_space<hbm>> -> memref<128xi32, #tpu.memory_space<hbm>>
    %dma_start3A_89 = arith.constant 0 : i32
    %dma_start3A_90 = tpu.memref_slice %arg7[%dma_start3A_84, %dma_start3A_89] : memref<2x128xi32, #tpu.memory_space<vmem>> -> memref<1x128xi32, #tpu.memory_space<vmem>>
    %dma_start3A_91 = tpu.memref_squeeze %dma_start3A_90 : memref<1x128xi32, #tpu.memory_space<vmem>> -> memref<128xi32, #tpu.memory_space<vmem>>
    %dma_start3A_92 = tpu.memref_slice %arg4[%mul3A_74] : memref<327680xi32, #tpu.memory_space<hbm>> -> memref<128xi32, #tpu.memory_space<hbm>>
    tpu.enqueue_dma source(%dma_start3A_92 : memref<128xi32, #tpu.memory_space<hbm>>) target(%dma_start3A_91 : memref<128xi32, #tpu.memory_space<vmem>>) target_semaphore(%arg11 : memref<!tpu.dma_semaphore, #tpu.memory_space<semaphore_mem>>)
    %scan3A_93 = arith.constant 0 : i32
    %scan3A_94 = arith.constant 40 : i32
    %scan3A_95 = arith.addi %scan3A_93, %scan3A_94 : i32
    %scan3A_96 = arith.constant 1 : i32
    scf.for %scan3A_103 = %scan3A_93 to %scan3A_95 step %scan3A_96  : i32 {
      %mul3A_104 = arith.constant 1 : i32
      %mul3A_105 = arith.muli %scan3A_103, %mul3A_104 : i32
      %add3A_106 = arith.constant 0 : i32
      %add3A_107 = arith.addi %add3A_106, %mul3A_105 : i32
      %mul3A_108 = arith.constant 2 : i32
      %mul3A_109 = arith.muli %mul3A_108, %add3A_107 : i32
      %dma_wait3A_110 = arith.constant 0 : i32
      %dma_wait3A_111 = arith.constant 0 : i32
      %dma_wait3A_112 = tpu.memref_slice %arg2[%dma_wait3A_110, %dma_wait3A_111] : memref<10000x144xf32, #tpu.memory_space<hbm>> -> memref<128x144xf32, #tpu.memory_space<hbm>>
      %dma_wait3A_113 = arith.constant 0 : i32
      %dma_wait3A_114 = arith.constant 0 : i32
      %dma_wait3A_115 = tpu.memref_slice %arg2[%dma_wait3A_113, %dma_wait3A_114] : memref<10000x144xf32, #tpu.memory_space<hbm>> -> memref<128x144xf32, #tpu.memory_space<hbm>>
      tpu.wait_dma2 semaphore(%arg10 : memref<!tpu.dma_semaphore, #tpu.memory_space<semaphore_mem>>) src(%dma_wait3A_115 : memref<128x144xf32, #tpu.memory_space<hbm>>) dst(%arg8 : memref<128x144xf32, #tpu.memory_space<vmem>>)
      %dma_wait3A_116 = arith.constant 1 : i32
      %dma_wait3A_117 = arith.constant 0 : i32
      %dma_wait3A_118 = tpu.memref_slice %arg6[%dma_wait3A_116, %dma_wait3A_117] : memref<2x128xi32, #tpu.memory_space<vmem>> -> memref<1x128xi32, #tpu.memory_space<vmem>>
      %dma_wait3A_119 = tpu.memref_squeeze %dma_wait3A_118 : memref<1x128xi32, #tpu.memory_space<vmem>> -> memref<128xi32, #tpu.memory_space<vmem>>
      %dma_wait3A_120 = arith.constant 0 : i32
      %dma_wait3A_121 = tpu.memref_slice %arg3[%dma_wait3A_120] : memref<327680xi32, #tpu.memory_space<hbm>> -> memref<128xi32, #tpu.memory_space<hbm>>
      %dma_wait3A_122 = arith.constant 0 : i32
      %dma_wait3A_123 = tpu.memref_slice %arg6[%dma_wait3A_116, %dma_wait3A_122] : memref<2x128xi32, #tpu.memory_space<vmem>> -> memref<1x128xi32, #tpu.memory_space<vmem>>
      %dma_wait3A_124 = tpu.memref_squeeze %dma_wait3A_123 : memref<1x128xi32, #tpu.memory_space<vmem>> -> memref<128xi32, #tpu.memory_space<vmem>>
      %dma_wait3A_125 = arith.constant 0 : i32
      %dma_wait3A_126 = tpu.memref_slice %arg3[%dma_wait3A_125] : memref<327680xi32, #tpu.memory_space<hbm>> -> memref<128xi32, #tpu.memory_space<hbm>>
      tpu.wait_dma2 semaphore(%arg11 : memref<!tpu.dma_semaphore, #tpu.memory_space<semaphore_mem>>) src(%dma_wait3A_126 : memref<128xi32, #tpu.memory_space<hbm>>) dst(%dma_wait3A_124 : memref<128xi32, #tpu.memory_space<vmem>>)
      %dma_wait3A_127 = arith.constant 1 : i32
      %dma_wait3A_128 = arith.constant 0 : i32
      %dma_wait3A_129 = tpu.memref_slice %arg7[%dma_wait3A_127, %dma_wait3A_128] : memref<2x128xi32, #tpu.memory_space<vmem>> -> memref<1x128xi32, #tpu.memory_space<vmem>>
      %dma_wait3A_130 = tpu.memref_squeeze %dma_wait3A_129 : memref<1x128xi32, #tpu.memory_space<vmem>> -> memref<128xi32, #tpu.memory_space<vmem>>
      %dma_wait3A_131 = arith.constant 0 : i32
      %dma_wait3A_132 = tpu.memref_slice %arg4[%dma_wait3A_131] : memref<327680xi32, #tpu.memory_space<hbm>> -> memref<128xi32, #tpu.memory_space<hbm>>
      %dma_wait3A_133 = arith.constant 0 : i32
      %dma_wait3A_134 = tpu.memref_slice %arg7[%dma_wait3A_127, %dma_wait3A_133] : memref<2x128xi32, #tpu.memory_space<vmem>> -> memref<1x128xi32, #tpu.memory_space<vmem>>
      %dma_wait3A_135 = tpu.memref_squeeze %dma_wait3A_134 : memref<1x128xi32, #tpu.memory_space<vmem>> -> memref<128xi32, #tpu.memory_space<vmem>>
      %dma_wait3A_136 = arith.constant 0 : i32
      %dma_wait3A_137 = tpu.memref_slice %arg4[%dma_wait3A_136] : memref<327680xi32, #tpu.memory_space<hbm>> -> memref<128xi32, #tpu.memory_space<hbm>>
      tpu.wait_dma2 semaphore(%arg11 : memref<!tpu.dma_semaphore, #tpu.memory_space<semaphore_mem>>) src(%dma_wait3A_137 : memref<128xi32, #tpu.memory_space<hbm>>) dst(%dma_wait3A_135 : memref<128xi32, #tpu.memory_space<vmem>>)
      %dma_start3A_138 = arith.constant 1 : i32
      %dma_start3A_139 = arith.constant 0 : i32
      %dma_start3A_140 = tpu.memref_slice %arg6[%dma_start3A_138, %dma_start3A_139] : memref<2x128xi32, #tpu.memory_space<vmem>> -> memref<1x128xi32, #tpu.memory_space<vmem>>
      %dma_start3A_141 = tpu.memref_squeeze %dma_start3A_140 : memref<1x128xi32, #tpu.memory_space<vmem>> -> memref<128xi32, #tpu.memory_space<vmem>>
      %dma_start3A_142 = arith.constant 0 : i32
      %dma_start3A_143 = arith.constant 0 : i32
      %dma_start3A_144 = tpu.memref_slice %arg2[%dma_start3A_142, %dma_start3A_143] : memref<10000x144xf32, #tpu.memory_space<hbm>> -> memref<10000x144xf32, #tpu.memory_space<hbm>>
      tpu.enqueue_indirect_dma source(%dma_start3A_144 : memref<10000x144xf32, #tpu.memory_space<hbm>>) target(%arg9 : memref<128x144xf32, #tpu.memory_space<vmem>>) offsets(%dma_start3A_141 : memref<128xi32, #tpu.memory_space<vmem>>) semaphore(%arg10 : memref<!tpu.dma_semaphore, #tpu.memory_space<semaphore_mem>>)
      %run_scoped3A = arith.constant 0 : i32
      "tpu.region"() ({
        %run_scoped3A_172 = tpu.sem_alloc : memref<!tpu.dma_semaphore, #tpu.memory_space<semaphore_mem>>
        %dma_start3A_173 = arith.constant 0 : i32
        %dma_start3A_174 = tpu.memref_slice %arg7[%run_scoped3A, %dma_start3A_173] : memref<2x128xi32, #tpu.memory_space<vmem>> -> memref<1x128xi32, #tpu.memory_space<vmem>>
        %dma_start3A_175 = tpu.memref_squeeze %dma_start3A_174 : memref<1x128xi32, #tpu.memory_space<vmem>> -> memref<128xi32, #tpu.memory_space<vmem>>
        %dma_start3A_176 = arith.constant 0 : i32
        %dma_start3A_177 = arith.constant 0 : i32
        %dma_start3A_178 = tpu.memref_slice %arg12[%dma_start3A_176, %dma_start3A_177] : memref<10064x144xf32, #tpu.memory_space<vmem_shared>> -> memref<10064x144xf32, #tpu.memory_space<vmem_shared>>
        tpu.enqueue_indirect_dma source(%arg8 : memref<128x144xf32, #tpu.memory_space<vmem>>) target(%dma_start3A_178 : memref<10064x144xf32, #tpu.memory_space<vmem_shared>>) offsets(%dma_start3A_175 : memref<128xi32, #tpu.memory_space<vmem>>) semaphore(%run_scoped3A_172 : memref<!tpu.dma_semaphore, #tpu.memory_space<semaphore_mem>>) {add = true}
        %dma_wait3A_179 = arith.constant 0 : i32
        %dma_wait3A_180 = tpu.memref_slice %arg7[%run_scoped3A, %dma_wait3A_179] : memref<2x128xi32, #tpu.memory_space<vmem>> -> memref<1x128xi32, #tpu.memory_space<vmem>>
        %dma_wait3A_181 = tpu.memref_squeeze %dma_wait3A_180 : memref<1x128xi32, #tpu.memory_space<vmem>> -> memref<128xi32, #tpu.memory_space<vmem>>
        %dma_wait3A_182 = arith.constant 0 : i32
        %dma_wait3A_183 = arith.constant 0 : i32
        %dma_wait3A_184 = tpu.memref_slice %arg12[%dma_wait3A_182, %dma_wait3A_183] : memref<10064x144xf32, #tpu.memory_space<vmem_shared>> -> memref<10064x144xf32, #tpu.memory_space<vmem_shared>>
        tpu.wait_indirect_dma semaphore(%run_scoped3A_172 : memref<!tpu.dma_semaphore, #tpu.memory_space<semaphore_mem>>) src(%arg8 : memref<128x144xf32, #tpu.memory_space<vmem>>) dst(%dma_wait3A_184 : memref<10064x144xf32, #tpu.memory_space<vmem_shared>>)
        tpu.yield
      }) : () -> ()
      %add3A_145 = arith.constant 2 : i32
      %add3A_146 = arith.addi %mul3A_109, %add3A_145 : i32
      %lt3A = arith.constant 80 : i32
      %lt3A_147 = arith.cmpi slt, %add3A_146, %lt3A : i32
      %convert_element_type3A_148 = arith.extui %lt3A_147 : i1 to i32
      %cond3A_149 = arith.constant 0 : i32
      %cond3A_150 = arith.cmpi ne, %convert_element_type3A_148, %cond3A_149 : i32
      scf.if %cond3A_150 {
        %add3A_172 = arith.constant 2 : i32
        %add3A_173 = arith.addi %mul3A_109, %add3A_172 : i32
        %mul3A_174 = arith.constant 80 : i32
        %mul3A_175 = arith.muli %add3A, %mul3A_174 : i32
        %add3A_176 = arith.addi %mul3A_175, %add3A_173 : i32
        %mul3A_177 = arith.constant 128 : i32
        %mul3A_178 = arith.muli %add3A_176, %mul3A_177 : i32
        %dma_start3A_179 = arith.constant 0 : i32
        %dma_start3A_180 = arith.constant 0 : i32
        %dma_start3A_181 = tpu.memref_slice %arg6[%dma_start3A_179, %dma_start3A_180] : memref<2x128xi32, #tpu.memory_space<vmem>> -> memref<1x128xi32, #tpu.memory_space<vmem>>
        %dma_start3A_182 = tpu.memref_squeeze %dma_start3A_181 : memref<1x128xi32, #tpu.memory_space<vmem>> -> memref<128xi32, #tpu.memory_space<vmem>>
        %dma_start3A_183 = tpu.memref_slice %arg3[%mul3A_178] : memref<327680xi32, #tpu.memory_space<hbm>> -> memref<128xi32, #tpu.memory_space<hbm>>
        %dma_start3A_184 = arith.constant 0 : i32
        %dma_start3A_185 = tpu.memref_slice %arg6[%dma_start3A_179, %dma_start3A_184] : memref<2x128xi32, #tpu.memory_space<vmem>> -> memref<1x128xi32, #tpu.memory_space<vmem>>
        %dma_start3A_186 = tpu.memref_squeeze %dma_start3A_185 : memref<1x128xi32, #tpu.memory_space<vmem>> -> memref<128xi32, #tpu.memory_space<vmem>>
        %dma_start3A_187 = tpu.memref_slice %arg3[%mul3A_178] : memref<327680xi32, #tpu.memory_space<hbm>> -> memref<128xi32, #tpu.memory_space<hbm>>
        tpu.enqueue_dma source(%dma_start3A_187 : memref<128xi32, #tpu.memory_space<hbm>>) target(%dma_start3A_186 : memref<128xi32, #tpu.memory_space<vmem>>) target_semaphore(%arg11 : memref<!tpu.dma_semaphore, #tpu.memory_space<semaphore_mem>>)
        %dma_start3A_188 = arith.constant 0 : i32
        %dma_start3A_189 = arith.constant 0 : i32
        %dma_start3A_190 = tpu.memref_slice %arg7[%dma_start3A_188, %dma_start3A_189] : memref<2x128xi32, #tpu.memory_space<vmem>> -> memref<1x128xi32, #tpu.memory_space<vmem>>
        %dma_start3A_191 = tpu.memref_squeeze %dma_start3A_190 : memref<1x128xi32, #tpu.memory_space<vmem>> -> memref<128xi32, #tpu.memory_space<vmem>>
        %dma_start3A_192 = tpu.memref_slice %arg4[%mul3A_178] : memref<327680xi32, #tpu.memory_space<hbm>> -> memref<128xi32, #tpu.memory_space<hbm>>
        %dma_start3A_193 = arith.constant 0 : i32
        %dma_start3A_194 = tpu.memref_slice %arg7[%dma_start3A_188, %dma_start3A_193] : memref<2x128xi32, #tpu.memory_space<vmem>> -> memref<1x128xi32, #tpu.memory_space<vmem>>
        %dma_start3A_195 = tpu.memref_squeeze %dma_start3A_194 : memref<1x128xi32, #tpu.memory_space<vmem>> -> memref<128xi32, #tpu.memory_space<vmem>>
        %dma_start3A_196 = tpu.memref_slice %arg4[%mul3A_178] : memref<327680xi32, #tpu.memory_space<hbm>> -> memref<128xi32, #tpu.memory_space<hbm>>
        tpu.enqueue_dma source(%dma_start3A_196 : memref<128xi32, #tpu.memory_space<hbm>>) target(%dma_start3A_195 : memref<128xi32, #tpu.memory_space<vmem>>) target_semaphore(%arg11 : memref<!tpu.dma_semaphore, #tpu.memory_space<semaphore_mem>>)
      } else {
      }
      %dma_wait3A_151 = arith.constant 0 : i32
      %dma_wait3A_152 = arith.constant 0 : i32
      %dma_wait3A_153 = tpu.memref_slice %arg2[%dma_wait3A_151, %dma_wait3A_152] : memref<10000x144xf32, #tpu.memory_space<hbm>> -> memref<128x144xf32, #tpu.memory_space<hbm>>
      %dma_wait3A_154 = arith.constant 0 : i32
      %dma_wait3A_155 = arith.constant 0 : i32
      %dma_wait3A_156 = tpu.memref_slice %arg2[%dma_wait3A_154, %dma_wait3A_155] : memref<10000x144xf32, #tpu.memory_space<hbm>> -> memref<128x144xf32, #tpu.memory_space<hbm>>
      tpu.wait_dma2 semaphore(%arg10 : memref<!tpu.dma_semaphore, #tpu.memory_space<semaphore_mem>>) src(%dma_wait3A_156 : memref<128x144xf32, #tpu.memory_space<hbm>>) dst(%arg9 : memref<128x144xf32, #tpu.memory_space<vmem>>)
      %add3A_157 = arith.constant 2 : i32
      %add3A_158 = arith.addi %mul3A_109, %add3A_157 : i32
      %lt3A_159 = arith.constant 80 : i32
      %lt3A_160 = arith.cmpi slt, %add3A_158, %lt3A_159 : i32
      %convert_element_type3A_161 = arith.extui %lt3A_160 : i1 to i32
      %cond3A_162 = arith.constant 0 : i32
      %cond3A_163 = arith.cmpi ne, %convert_element_type3A_161, %cond3A_162 : i32
      scf.if %cond3A_163 {
        %dma_wait3A_172 = arith.constant 0 : i32
        %dma_wait3A_173 = arith.constant 0 : i32
        %dma_wait3A_174 = tpu.memref_slice %arg6[%dma_wait3A_172, %dma_wait3A_173] : memref<2x128xi32, #tpu.memory_space<vmem>> -> memref<1x128xi32, #tpu.memory_space<vmem>>
        %dma_wait3A_175 = tpu.memref_squeeze %dma_wait3A_174 : memref<1x128xi32, #tpu.memory_space<vmem>> -> memref<128xi32, #tpu.memory_space<vmem>>
        %dma_wait3A_176 = arith.constant 0 : i32
        %dma_wait3A_177 = tpu.memref_slice %arg3[%dma_wait3A_176] : memref<327680xi32, #tpu.memory_space<hbm>> -> memref<128xi32, #tpu.memory_space<hbm>>
        %dma_wait3A_178 = arith.constant 0 : i32
        %dma_wait3A_179 = tpu.memref_slice %arg6[%dma_wait3A_172, %dma_wait3A_178] : memref<2x128xi32, #tpu.memory_space<vmem>> -> memref<1x128xi32, #tpu.memory_space<vmem>>
        %dma_wait3A_180 = tpu.memref_squeeze %dma_wait3A_179 : memref<1x128xi32, #tpu.memory_space<vmem>> -> memref<128xi32, #tpu.memory_space<vmem>>
        %dma_wait3A_181 = arith.constant 0 : i32
        %dma_wait3A_182 = tpu.memref_slice %arg3[%dma_wait3A_181] : memref<327680xi32, #tpu.memory_space<hbm>> -> memref<128xi32, #tpu.memory_space<hbm>>
        tpu.wait_dma2 semaphore(%arg11 : memref<!tpu.dma_semaphore, #tpu.memory_space<semaphore_mem>>) src(%dma_wait3A_182 : memref<128xi32, #tpu.memory_space<hbm>>) dst(%dma_wait3A_180 : memref<128xi32, #tpu.memory_space<vmem>>)
        %dma_wait3A_183 = arith.constant 0 : i32
        %dma_wait3A_184 = arith.constant 0 : i32
        %dma_wait3A_185 = tpu.memref_slice %arg7[%dma_wait3A_183, %dma_wait3A_184] : memref<2x128xi32, #tpu.memory_space<vmem>> -> memref<1x128xi32, #tpu.memory_space<vmem>>
        %dma_wait3A_186 = tpu.memref_squeeze %dma_wait3A_185 : memref<1x128xi32, #tpu.memory_space<vmem>> -> memref<128xi32, #tpu.memory_space<vmem>>
        %dma_wait3A_187 = arith.constant 0 : i32
        %dma_wait3A_188 = tpu.memref_slice %arg4[%dma_wait3A_187] : memref<327680xi32, #tpu.memory_space<hbm>> -> memref<128xi32, #tpu.memory_space<hbm>>
        %dma_wait3A_189 = arith.constant 0 : i32
        %dma_wait3A_190 = tpu.memref_slice %arg7[%dma_wait3A_183, %dma_wait3A_189] : memref<2x128xi32, #tpu.memory_space<vmem>> -> memref<1x128xi32, #tpu.memory_space<vmem>>
        %dma_wait3A_191 = tpu.memref_squeeze %dma_wait3A_190 : memref<1x128xi32, #tpu.memory_space<vmem>> -> memref<128xi32, #tpu.memory_space<vmem>>
        %dma_wait3A_192 = arith.constant 0 : i32
        %dma_wait3A_193 = tpu.memref_slice %arg4[%dma_wait3A_192] : memref<327680xi32, #tpu.memory_space<hbm>> -> memref<128xi32, #tpu.memory_space<hbm>>
        tpu.wait_dma2 semaphore(%arg11 : memref<!tpu.dma_semaphore, #tpu.memory_space<semaphore_mem>>) src(%dma_wait3A_193 : memref<128xi32, #tpu.memory_space<hbm>>) dst(%dma_wait3A_191 : memref<128xi32, #tpu.memory_space<vmem>>)
        %dma_start3A_194 = arith.constant 0 : i32
        %dma_start3A_195 = arith.constant 0 : i32
        %dma_start3A_196 = tpu.memref_slice %arg6[%dma_start3A_194, %dma_start3A_195] : memref<2x128xi32, #tpu.memory_space<vmem>> -> memref<1x128xi32, #tpu.memory_space<vmem>>
        %dma_start3A_197 = tpu.memref_squeeze %dma_start3A_196 : memref<1x128xi32, #tpu.memory_space<vmem>> -> memref<128xi32, #tpu.memory_space<vmem>>
        %dma_start3A_198 = arith.constant 0 : i32
        %dma_start3A_199 = arith.constant 0 : i32
        %dma_start3A_200 = tpu.memref_slice %arg2[%dma_start3A_198, %dma_start3A_199] : memref<10000x144xf32, #tpu.memory_space<hbm>> -> memref<10000x144xf32, #tpu.memory_space<hbm>>
        tpu.enqueue_indirect_dma source(%dma_start3A_200 : memref<10000x144xf32, #tpu.memory_space<hbm>>) target(%arg8 : memref<128x144xf32, #tpu.memory_space<vmem>>) offsets(%dma_start3A_197 : memref<128xi32, #tpu.memory_space<vmem>>) semaphore(%arg10 : memref<!tpu.dma_semaphore, #tpu.memory_space<semaphore_mem>>)
      } else {
      }
      %run_scoped3A_164 = arith.constant 1 : i32
      "tpu.region"() ({
        %run_scoped3A_172 = tpu.sem_alloc : memref<!tpu.dma_semaphore, #tpu.memory_space<semaphore_mem>>
        %dma_start3A_173 = arith.constant 0 : i32
        %dma_start3A_174 = tpu.memref_slice %arg7[%run_scoped3A_164, %dma_start3A_173] : memref<2x128xi32, #tpu.memory_space<vmem>> -> memref<1x128xi32, #tpu.memory_space<vmem>>
        %dma_start3A_175 = tpu.memref_squeeze %dma_start3A_174 : memref<1x128xi32, #tpu.memory_space<vmem>> -> memref<128xi32, #tpu.memory_space<vmem>>
        %dma_start3A_176 = arith.constant 0 : i32
        %dma_start3A_177 = arith.constant 0 : i32
        %dma_start3A_178 = tpu.memref_slice %arg12[%dma_start3A_176, %dma_start3A_177] : memref<10064x144xf32, #tpu.memory_space<vmem_shared>> -> memref<10064x144xf32, #tpu.memory_space<vmem_shared>>
        tpu.enqueue_indirect_dma source(%arg9 : memref<128x144xf32, #tpu.memory_space<vmem>>) target(%dma_start3A_178 : memref<10064x144xf32, #tpu.memory_space<vmem_shared>>) offsets(%dma_start3A_175 : memref<128xi32, #tpu.memory_space<vmem>>) semaphore(%run_scoped3A_172 : memref<!tpu.dma_semaphore, #tpu.memory_space<semaphore_mem>>) {add = true}
        %dma_wait3A_179 = arith.constant 0 : i32
        %dma_wait3A_180 = tpu.memref_slice %arg7[%run_scoped3A_164, %dma_wait3A_179] : memref<2x128xi32, #tpu.memory_space<vmem>> -> memref<1x128xi32, #tpu.memory_space<vmem>>
        %dma_wait3A_181 = tpu.memref_squeeze %dma_wait3A_180 : memref<1x128xi32, #tpu.memory_space<vmem>> -> memref<128xi32, #tpu.memory_space<vmem>>
        %dma_wait3A_182 = arith.constant 0 : i32
        %dma_wait3A_183 = arith.constant 0 : i32
        %dma_wait3A_184 = tpu.memref_slice %arg12[%dma_wait3A_182, %dma_wait3A_183] : memref<10064x144xf32, #tpu.memory_space<vmem_shared>> -> memref<10064x144xf32, #tpu.memory_space<vmem_shared>>
        tpu.wait_indirect_dma semaphore(%run_scoped3A_172 : memref<!tpu.dma_semaphore, #tpu.memory_space<semaphore_mem>>) src(%arg9 : memref<128x144xf32, #tpu.memory_space<vmem>>) dst(%dma_wait3A_184 : memref<10064x144xf32, #tpu.memory_space<vmem_shared>>)
        tpu.yield
      }) : () -> ()
      %add3A_165 = arith.constant 3 : i32
      %add3A_166 = arith.addi %mul3A_109, %add3A_165 : i32
      %lt3A_167 = arith.constant 80 : i32
      %lt3A_168 = arith.cmpi slt, %add3A_166, %lt3A_167 : i32
      %convert_element_type3A_169 = arith.extui %lt3A_168 : i1 to i32
      %cond3A_170 = arith.constant 0 : i32
      %cond3A_171 = arith.cmpi ne, %convert_element_type3A_169, %cond3A_170 : i32
      scf.if %cond3A_171 {
        %add3A_172 = arith.constant 3 : i32
        %add3A_173 = arith.addi %mul3A_109, %add3A_172 : i32
        %mul3A_174 = arith.constant 80 : i32
        %mul3A_175 = arith.muli %add3A, %mul3A_174 : i32
        %add3A_176 = arith.addi %mul3A_175, %add3A_173 : i32
        %mul3A_177 = arith.constant 128 : i32
        %mul3A_178 = arith.muli %add3A_176, %mul3A_177 : i32
        %dma_start3A_179 = arith.constant 1 : i32
        %dma_start3A_180 = arith.constant 0 : i32
        %dma_start3A_181 = tpu.memref_slice %arg6[%dma_start3A_179, %dma_start3A_180] : memref<2x128xi32, #tpu.memory_space<vmem>> -> memref<1x128xi32, #tpu.memory_space<vmem>>
        %dma_start3A_182 = tpu.memref_squeeze %dma_start3A_181 : memref<1x128xi32, #tpu.memory_space<vmem>> -> memref<128xi32, #tpu.memory_space<vmem>>
        %dma_start3A_183 = tpu.memref_slice %arg3[%mul3A_178] : memref<327680xi32, #tpu.memory_space<hbm>> -> memref<128xi32, #tpu.memory_space<hbm>>
        %dma_start3A_184 = arith.constant 0 : i32
        %dma_start3A_185 = tpu.memref_slice %arg6[%dma_start3A_179, %dma_start3A_184] : memref<2x128xi32, #tpu.memory_space<vmem>> -> memref<1x128xi32, #tpu.memory_space<vmem>>
        %dma_start3A_186 = tpu.memref_squeeze %dma_start3A_185 : memref<1x128xi32, #tpu.memory_space<vmem>> -> memref<128xi32, #tpu.memory_space<vmem>>
        %dma_start3A_187 = tpu.memref_slice %arg3[%mul3A_178] : memref<327680xi32, #tpu.memory_space<hbm>> -> memref<128xi32, #tpu.memory_space<hbm>>
        tpu.enqueue_dma source(%dma_start3A_187 : memref<128xi32, #tpu.memory_space<hbm>>) target(%dma_start3A_186 : memref<128xi32, #tpu.memory_space<vmem>>) target_semaphore(%arg11 : memref<!tpu.dma_semaphore, #tpu.memory_space<semaphore_mem>>)
        %dma_start3A_188 = arith.constant 1 : i32
        %dma_start3A_189 = arith.constant 0 : i32
        %dma_start3A_190 = tpu.memref_slice %arg7[%dma_start3A_188, %dma_start3A_189] : memref<2x128xi32, #tpu.memory_space<vmem>> -> memref<1x128xi32, #tpu.memory_space<vmem>>
        %dma_start3A_191 = tpu.memref_squeeze %dma_start3A_190 : memref<1x128xi32, #tpu.memory_space<vmem>> -> memref<128xi32, #tpu.memory_space<vmem>>
        %dma_start3A_192 = tpu.memref_slice %arg4[%mul3A_178] : memref<327680xi32, #tpu.memory_space<hbm>> -> memref<128xi32, #tpu.memory_space<hbm>>
        %dma_start3A_193 = arith.constant 0 : i32
        %dma_start3A_194 = tpu.memref_slice %arg7[%dma_start3A_188, %dma_start3A_193] : memref<2x128xi32, #tpu.memory_space<vmem>> -> memref<1x128xi32, #tpu.memory_space<vmem>>
        %dma_start3A_195 = tpu.memref_squeeze %dma_start3A_194 : memref<1x128xi32, #tpu.memory_space<vmem>> -> memref<128xi32, #tpu.memory_space<vmem>>
        %dma_start3A_196 = tpu.memref_slice %arg4[%mul3A_178] : memref<327680xi32, #tpu.memory_space<hbm>> -> memref<128xi32, #tpu.memory_space<hbm>>
        tpu.enqueue_dma source(%dma_start3A_196 : memref<128xi32, #tpu.memory_space<hbm>>) target(%dma_start3A_195 : memref<128xi32, #tpu.memory_space<vmem>>) target_semaphore(%arg11 : memref<!tpu.dma_semaphore, #tpu.memory_space<semaphore_mem>>)
      } else {
      }
    }
    %scan3A_97 = arith.constant 40 : i32
    %barrier3A_98 = arith.constant 0 : index
    tpu.barrier barrier_id(%barrier3A_98)
    %mul3A_99 = arith.constant 624 : i32
    %mul3A_100 = arith.muli %arg1, %mul3A_99 : i32
    "tpu.region"() ({
      %run_scoped3A = tpu.sem_alloc : memref<!tpu.dma_semaphore, #tpu.memory_space<semaphore_mem>>
      %dma_start3A_103 = arith.constant 0 : i32
      %dma_start3A_104 = tpu.memref_slice %arg5[%arg0, %mul3A_100, %dma_start3A_103] : memref<2x10000x144xf32, #tpu.memory_space<hbm>> -> memref<1x624x144xf32, #tpu.memory_space<hbm>>
      %dma_start3A_105 = tpu.memref_squeeze %dma_start3A_104 : memref<1x624x144xf32, #tpu.memory_space<hbm>> -> memref<624x144xf32, #tpu.memory_space<hbm>>
      %dma_start3A_106 = arith.constant 0 : i32
      %dma_start3A_107 = tpu.memref_slice %arg12[%mul3A_100, %dma_start3A_106] : memref<10064x144xf32, #tpu.memory_space<vmem_shared>> -> memref<624x144xf32, #tpu.memory_space<vmem_shared>>
      tpu.enqueue_dma source(%dma_start3A_107 : memref<624x144xf32, #tpu.memory_space<vmem_shared>>) target(%dma_start3A_105 : memref<624x144xf32, #tpu.memory_space<hbm>>) target_semaphore(%run_scoped3A : memref<!tpu.dma_semaphore, #tpu.memory_space<semaphore_mem>>)
      %dma_wait3A_108 = arith.constant 0 : i32
      %dma_wait3A_109 = tpu.memref_slice %arg5[%arg0, %mul3A_100, %dma_wait3A_108] : memref<2x10000x144xf32, #tpu.memory_space<hbm>> -> memref<1x624x144xf32, #tpu.memory_space<hbm>>
      %dma_wait3A_110 = tpu.memref_squeeze %dma_wait3A_109 : memref<1x624x144xf32, #tpu.memory_space<hbm>> -> memref<624x144xf32, #tpu.memory_space<hbm>>
      %dma_wait3A_111 = arith.constant 0 : i32
      %dma_wait3A_112 = tpu.memref_slice %arg12[%mul3A_100, %dma_wait3A_111] : memref<10064x144xf32, #tpu.memory_space<vmem_shared>> -> memref<624x144xf32, #tpu.memory_space<vmem_shared>>
      tpu.wait_dma2 semaphore(%run_scoped3A : memref<!tpu.dma_semaphore, #tpu.memory_space<semaphore_mem>>) src(%dma_wait3A_112 : memref<624x144xf32, #tpu.memory_space<vmem_shared>>) dst(%dma_wait3A_110 : memref<624x144xf32, #tpu.memory_space<hbm>>)
      tpu.yield
    }) : () -> ()
    %eq3A = arith.constant 0 : i32
    %eq3A_101 = arith.cmpi eq, %arg1, %eq3A : i32
    %convert_element_type3A = arith.extui %eq3A_101 : i1 to i32
    %cond3A = arith.constant 0 : i32
    %cond3A_102 = arith.cmpi ne, %convert_element_type3A, %cond3A : i32
    scf.if %cond3A_102 {
      "tpu.region"() ({
        %run_scoped3A = tpu.sem_alloc : memref<!tpu.dma_semaphore, #tpu.memory_space<semaphore_mem>>
        %dma_start3A_103 = arith.constant 9984 : i32
        %dma_start3A_104 = arith.constant 0 : i32
        %dma_start3A_105 = tpu.memref_slice %arg5[%arg0, %dma_start3A_103, %dma_start3A_104] : memref<2x10000x144xf32, #tpu.memory_space<hbm>> -> memref<1x16x144xf32, #tpu.memory_space<hbm>>
        %dma_start3A_106 = tpu.memref_squeeze %dma_start3A_105 : memref<1x16x144xf32, #tpu.memory_space<hbm>> -> memref<16x144xf32, #tpu.memory_space<hbm>>
        %dma_start3A_107 = arith.constant 9984 : i32
        %dma_start3A_108 = arith.constant 0 : i32
        %dma_start3A_109 = tpu.memref_slice %arg12[%dma_start3A_107, %dma_start3A_108] : memref<10064x144xf32, #tpu.memory_space<vmem_shared>> -> memref<16x144xf32, #tpu.memory_space<vmem_shared>>
        tpu.enqueue_dma source(%dma_start3A_109 : memref<16x144xf32, #tpu.memory_space<vmem_shared>>) target(%dma_start3A_106 : memref<16x144xf32, #tpu.memory_space<hbm>>) target_semaphore(%run_scoped3A : memref<!tpu.dma_semaphore, #tpu.memory_space<semaphore_mem>>)
        %dma_wait3A_110 = arith.constant 9984 : i32
        %dma_wait3A_111 = arith.constant 0 : i32
        %dma_wait3A_112 = tpu.memref_slice %arg5[%arg0, %dma_wait3A_110, %dma_wait3A_111] : memref<2x10000x144xf32, #tpu.memory_space<hbm>> -> memref<1x16x144xf32, #tpu.memory_space<hbm>>
        %dma_wait3A_113 = tpu.memref_squeeze %dma_wait3A_112 : memref<1x16x144xf32, #tpu.memory_space<hbm>> -> memref<16x144xf32, #tpu.memory_space<hbm>>
        %dma_wait3A_114 = arith.constant 9984 : i32
        %dma_wait3A_115 = arith.constant 0 : i32
        %dma_wait3A_116 = tpu.memref_slice %arg12[%dma_wait3A_114, %dma_wait3A_115] : memref<10064x144xf32, #tpu.memory_space<vmem_shared>> -> memref<16x144xf32, #tpu.memory_space<vmem_shared>>
        tpu.wait_dma2 semaphore(%run_scoped3A : memref<!tpu.dma_semaphore, #tpu.memory_space<semaphore_mem>>) src(%dma_wait3A_116 : memref<16x144xf32, #tpu.memory_space<vmem_shared>>) dst(%dma_wait3A_113 : memref<16x144xf32, #tpu.memory_space<hbm>>)
        tpu.yield
      }) : () -> ()
    } else {
    }
    return
  }
}

#map = affine_map<(d0, d1) -> (0, 0)>
#map1 = affine_map<(d0, d1) -> (0)>
#map2 = affine_map<(d0, d1) -> (0, 0, 0)>
module attributes {stable_mosaic.version = 14 : i64} {
  func.func @body(%arg0: i32, %arg1: i32, %arg2: memref<10000x64xf32, #tpu.memory_space<hbm>>, %arg3: memref<327680xi32, #tpu.memory_space<hbm>>, %arg4: memref<327680xi32, #tpu.memory_space<hbm>>, %arg5: memref<2x10000x64xf32, #tpu.memory_space<hbm>>, %arg6: memref<2x128xi32, #tpu.memory_space<vmem>>, %arg7: memref<2x128xi32, #tpu.memory_space<vmem>>, %arg8: memref<128x64xf32, #tpu.memory_space<vmem>>, %arg9: memref<128x64xf32, #tpu.memory_space<vmem>>, %arg10: memref<!tpu.dma_semaphore, #tpu.memory_space<semaphore_mem>>, %arg11: memref<!tpu.dma_semaphore, #tpu.memory_space<semaphore_mem>>, %arg12: memref<10064x64xf32, #tpu.memory_space<vmem_shared>>) attributes {dimension_semantics = [#tpu.dimension_semantics<core_parallel>, #tpu.dimension_semantics<subcore_parallel>], iteration_bounds = array<i64: 2, 16>, scalar_prefetch = 0 : i64, scratch_operands = 7 : i64, tpu.core_type = #tpu.core_type<sc_vector_subcore>, window_params = [{transform_indices = #map}, {transform_indices = #map1}, {transform_indices = #map1}, {transform_indices = #map2}]} {
    %mul3A = arith.constant 2 : i32
    %mul3A_0 = arith.muli %arg1, %mul3A : i32
    %add3A = arith.addi %mul3A_0, %arg0 : i32
    %broadcast_in_dim3A = arith.constant 0.000000e+00 : f32
    %broadcast_in_dim3A_1 = vector.broadcast %broadcast_in_dim3A : f32 to vector<16xf32>
    %scan3A = arith.constant 0 : i32
    %scan3A_2 = arith.constant 128 : i32
    %scan3A_3 = arith.addi %scan3A, %scan3A_2 : i32
    %scan3A_4 = arith.constant 1 : i32
    scf.for %scan3A_103 = %scan3A to %scan3A_3 step %scan3A_4  : i32 {
      %mul3A_104 = arith.constant 1 : i32
      %mul3A_105 = arith.muli %scan3A_103, %mul3A_104 : i32
      %add3A_106 = arith.constant 0 : i32
      %add3A_107 = arith.addi %add3A_106, %mul3A_105 : i32
      %swap3A = arith.index_cast %add3A_107 : i32 to index
      %swap3A_108 = arith.constant 0 : index
      %swap3A_109 = tpu.vector_load %arg8[%swap3A, %swap3A_108] {strides = array<i32>} : memref<128x64xf32, #tpu.memory_space<vmem>>, vector<1x16xf32>,
      %swap3A_110 = vector.shape_cast %swap3A_109 : vector<1x16xf32> to vector<16xf32>
      %swap3A_111 = vector.shape_cast %broadcast_in_dim3A_1 : vector<16xf32> to vector<1x16xf32>
      tpu.vector_store %arg8[%swap3A, %swap3A_108], %swap3A_111 {strides = array<i32>} : memref<128x64xf32, #tpu.memory_space<vmem>>, vector<1x16xf32>,
      %swap3A_112 = arith.index_cast %add3A_107 : i32 to index
      %swap3A_113 = arith.constant 16 : index
      %swap3A_114 = tpu.vector_load %arg8[%swap3A_112, %swap3A_113] {strides = array<i32>} : memref<128x64xf32, #tpu.memory_space<vmem>>, vector<1x16xf32>,
      %swap3A_115 = vector.shape_cast %swap3A_114 : vector<1x16xf32> to vector<16xf32>
      %swap3A_116 = vector.shape_cast %broadcast_in_dim3A_1 : vector<16xf32> to vector<1x16xf32>
      tpu.vector_store %arg8[%swap3A_112, %swap3A_113], %swap3A_116 {strides = array<i32>} : memref<128x64xf32, #tpu.memory_space<vmem>>, vector<1x16xf32>,
      %swap3A_117 = arith.index_cast %add3A_107 : i32 to index
      %swap3A_118 = arith.constant 32 : index
      %swap3A_119 = tpu.vector_load %arg8[%swap3A_117, %swap3A_118] {strides = array<i32>} : memref<128x64xf32, #tpu.memory_space<vmem>>, vector<1x16xf32>,
      %swap3A_120 = vector.shape_cast %swap3A_119 : vector<1x16xf32> to vector<16xf32>
      %swap3A_121 = vector.shape_cast %broadcast_in_dim3A_1 : vector<16xf32> to vector<1x16xf32>
      tpu.vector_store %arg8[%swap3A_117, %swap3A_118], %swap3A_121 {strides = array<i32>} : memref<128x64xf32, #tpu.memory_space<vmem>>, vector<1x16xf32>,
      %swap3A_122 = arith.index_cast %add3A_107 : i32 to index
      %swap3A_123 = arith.constant 48 : index
      %swap3A_124 = tpu.vector_load %arg8[%swap3A_122, %swap3A_123] {strides = array<i32>} : memref<128x64xf32, #tpu.memory_space<vmem>>, vector<1x16xf32>,
      %swap3A_125 = vector.shape_cast %swap3A_124 : vector<1x16xf32> to vector<16xf32>
      %swap3A_126 = vector.shape_cast %broadcast_in_dim3A_1 : vector<16xf32> to vector<1x16xf32>
      tpu.vector_store %arg8[%swap3A_122, %swap3A_123], %swap3A_126 {strides = array<i32>} : memref<128x64xf32, #tpu.memory_space<vmem>>, vector<1x16xf32>,
    }
    %scan3A_5 = arith.constant 128 : i32
    %mul3A_6 = arith.constant 629 : i32
    %mul3A_7 = arith.muli %arg1, %mul3A_6 : i32
    %add3A_8 = arith.constant 0 : i32
    %add3A_9 = arith.addi %mul3A_7, %add3A_8 : i32
    "tpu.region"() ({
      %run_scoped3A = tpu.sem_alloc : memref<!tpu.dma_semaphore, #tpu.memory_space<semaphore_mem>>
      %dma_start3A_103 = arith.constant 0 : i32
      %dma_start3A_104 = arith.constant 0 : i32
      %dma_start3A_105 = tpu.memref_slice %arg8[%dma_start3A_103, %dma_start3A_104] : memref<128x64xf32, #tpu.memory_space<vmem>> -> memref<128x64xf32, #tpu.memory_space<vmem>>
      %dma_start3A_106 = arith.constant 0 : i32
      %dma_start3A_107 = tpu.memref_slice %arg12[%add3A_9, %dma_start3A_106] : memref<10064x64xf32, #tpu.memory_space<vmem_shared>> -> memref<128x64xf32, #tpu.memory_space<vmem_shared>>
      %dma_start3A_108 = arith.constant 0 : i32
      %dma_start3A_109 = tpu.memref_slice %arg12[%add3A_9, %dma_start3A_108] : memref<10064x64xf32, #tpu.memory_space<vmem_shared>> -> memref<128x64xf32, #tpu.memory_space<vmem_shared>>
      %dma_start3A_110 = arith.constant 0 : i32
      %dma_start3A_111 = arith.constant 0 : i32
      %dma_start3A_112 = tpu.memref_slice %arg8[%dma_start3A_110, %dma_start3A_111] : memref<128x64xf32, #tpu.memory_space<vmem>> -> memref<128x64xf32, #tpu.memory_space<vmem>>
      tpu.enqueue_dma source(%dma_start3A_112 : memref<128x64xf32, #tpu.memory_space<vmem>>) target(%dma_start3A_109 : memref<128x64xf32, #tpu.memory_space<vmem_shared>>) target_semaphore(%run_scoped3A : memref<!tpu.dma_semaphore, #tpu.memory_space<semaphore_mem>>)
      %dma_wait3A_113 = arith.constant 0 : i32
      %dma_wait3A_114 = arith.constant 0 : i32
      %dma_wait3A_115 = tpu.memref_slice %arg8[%dma_wait3A_113, %dma_wait3A_114] : memref<128x64xf32, #tpu.memory_space<vmem>> -> memref<128x64xf32, #tpu.memory_space<vmem>>
      %dma_wait3A_116 = arith.constant 0 : i32
      %dma_wait3A_117 = tpu.memref_slice %arg12[%add3A_9, %dma_wait3A_116] : memref<10064x64xf32, #tpu.memory_space<vmem_shared>> -> memref<128x64xf32, #tpu.memory_space<vmem_shared>>
      %dma_wait3A_118 = arith.constant 0 : i32
      %dma_wait3A_119 = tpu.memref_slice %arg12[%add3A_9, %dma_wait3A_118] : memref<10064x64xf32, #tpu.memory_space<vmem_shared>> -> memref<128x64xf32, #tpu.memory_space<vmem_shared>>
      %dma_wait3A_120 = arith.constant 0 : i32
      %dma_wait3A_121 = arith.constant 0 : i32
      %dma_wait3A_122 = tpu.memref_slice %arg8[%dma_wait3A_120, %dma_wait3A_121] : memref<128x64xf32, #tpu.memory_space<vmem>> -> memref<128x64xf32, #tpu.memory_space<vmem>>
      tpu.wait_dma2 semaphore(%run_scoped3A : memref<!tpu.dma_semaphore, #tpu.memory_space<semaphore_mem>>) src(%dma_wait3A_122 : memref<128x64xf32, #tpu.memory_space<vmem>>) dst(%dma_wait3A_119 : memref<128x64xf32, #tpu.memory_space<vmem_shared>>)
      tpu.yield
    }) : () -> ()
    %add3A_10 = arith.constant 128 : i32
    %add3A_11 = arith.addi %mul3A_7, %add3A_10 : i32
    "tpu.region"() ({
      %run_scoped3A = tpu.sem_alloc : memref<!tpu.dma_semaphore, #tpu.memory_space<semaphore_mem>>
      %dma_start3A_103 = arith.constant 0 : i32
      %dma_start3A_104 = arith.constant 0 : i32
      %dma_start3A_105 = tpu.memref_slice %arg8[%dma_start3A_103, %dma_start3A_104] : memref<128x64xf32, #tpu.memory_space<vmem>> -> memref<128x64xf32, #tpu.memory_space<vmem>>
      %dma_start3A_106 = arith.constant 0 : i32
      %dma_start3A_107 = tpu.memref_slice %arg12[%add3A_11, %dma_start3A_106] : memref<10064x64xf32, #tpu.memory_space<vmem_shared>> -> memref<128x64xf32, #tpu.memory_space<vmem_shared>>
      %dma_start3A_108 = arith.constant 0 : i32
      %dma_start3A_109 = tpu.memref_slice %arg12[%add3A_11, %dma_start3A_108] : memref<10064x64xf32, #tpu.memory_space<vmem_shared>> -> memref<128x64xf32, #tpu.memory_space<vmem_shared>>
      %dma_start3A_110 = arith.constant 0 : i32
      %dma_start3A_111 = arith.constant 0 : i32
      %dma_start3A_112 = tpu.memref_slice %arg8[%dma_start3A_110, %dma_start3A_111] : memref<128x64xf32, #tpu.memory_space<vmem>> -> memref<128x64xf32, #tpu.memory_space<vmem>>
      tpu.enqueue_dma source(%dma_start3A_112 : memref<128x64xf32, #tpu.memory_space<vmem>>) target(%dma_start3A_109 : memref<128x64xf32, #tpu.memory_space<vmem_shared>>) target_semaphore(%run_scoped3A : memref<!tpu.dma_semaphore, #tpu.memory_space<semaphore_mem>>)
      %dma_wait3A_113 = arith.constant 0 : i32
      %dma_wait3A_114 = arith.constant 0 : i32
      %dma_wait3A_115 = tpu.memref_slice %arg8[%dma_wait3A_113, %dma_wait3A_114] : memref<128x64xf32, #tpu.memory_space<vmem>> -> memref<128x64xf32, #tpu.memory_space<vmem>>
      %dma_wait3A_116 = arith.constant 0 : i32
      %dma_wait3A_117 = tpu.memref_slice %arg12[%add3A_11, %dma_wait3A_116] : memref<10064x64xf32, #tpu.memory_space<vmem_shared>> -> memref<128x64xf32, #tpu.memory_space<vmem_shared>>
      %dma_wait3A_118 = arith.constant 0 : i32
      %dma_wait3A_119 = tpu.memref_slice %arg12[%add3A_11, %dma_wait3A_118] : memref<10064x64xf32, #tpu.memory_space<vmem_shared>> -> memref<128x64xf32, #tpu.memory_space<vmem_shared>>
      %dma_wait3A_120 = arith.constant 0 : i32
      %dma_wait3A_121 = arith.constant 0 : i32
      %dma_wait3A_122 = tpu.memref_slice %arg8[%dma_wait3A_120, %dma_wait3A_121] : memref<128x64xf32, #tpu.memory_space<vmem>> -> memref<128x64xf32, #tpu.memory_space<vmem>>
      tpu.wait_dma2 semaphore(%run_scoped3A : memref<!tpu.dma_semaphore, #tpu.memory_space<semaphore_mem>>) src(%dma_wait3A_122 : memref<128x64xf32, #tpu.memory_space<vmem>>) dst(%dma_wait3A_119 : memref<128x64xf32, #tpu.memory_space<vmem_shared>>)
      tpu.yield
    }) : () -> ()
    %add3A_12 = arith.constant 256 : i32
    %add3A_13 = arith.addi %mul3A_7, %add3A_12 : i32
    "tpu.region"() ({
      %run_scoped3A = tpu.sem_alloc : memref<!tpu.dma_semaphore, #tpu.memory_space<semaphore_mem>>
      %dma_start3A_103 = arith.constant 0 : i32
      %dma_start3A_104 = arith.constant 0 : i32
      %dma_start3A_105 = tpu.memref_slice %arg8[%dma_start3A_103, %dma_start3A_104] : memref<128x64xf32, #tpu.memory_space<vmem>> -> memref<128x64xf32, #tpu.memory_space<vmem>>
      %dma_start3A_106 = arith.constant 0 : i32
      %dma_start3A_107 = tpu.memref_slice %arg12[%add3A_13, %dma_start3A_106] : memref<10064x64xf32, #tpu.memory_space<vmem_shared>> -> memref<128x64xf32, #tpu.memory_space<vmem_shared>>
      %dma_start3A_108 = arith.constant 0 : i32
      %dma_start3A_109 = tpu.memref_slice %arg12[%add3A_13, %dma_start3A_108] : memref<10064x64xf32, #tpu.memory_space<vmem_shared>> -> memref<128x64xf32, #tpu.memory_space<vmem_shared>>
      %dma_start3A_110 = arith.constant 0 : i32
      %dma_start3A_111 = arith.constant 0 : i32
      %dma_start3A_112 = tpu.memref_slice %arg8[%dma_start3A_110, %dma_start3A_111] : memref<128x64xf32, #tpu.memory_space<vmem>> -> memref<128x64xf32, #tpu.memory_space<vmem>>
      tpu.enqueue_dma source(%dma_start3A_112 : memref<128x64xf32, #tpu.memory_space<vmem>>) target(%dma_start3A_109 : memref<128x64xf32, #tpu.memory_space<vmem_shared>>) target_semaphore(%run_scoped3A : memref<!tpu.dma_semaphore, #tpu.memory_space<semaphore_mem>>)
      %dma_wait3A_113 = arith.constant 0 : i32
      %dma_wait3A_114 = arith.constant 0 : i32
      %dma_wait3A_115 = tpu.memref_slice %arg8[%dma_wait3A_113, %dma_wait3A_114] : memref<128x64xf32, #tpu.memory_space<vmem>> -> memref<128x64xf32, #tpu.memory_space<vmem>>
      %dma_wait3A_116 = arith.constant 0 : i32
      %dma_wait3A_117 = tpu.memref_slice %arg12[%add3A_13, %dma_wait3A_116] : memref<10064x64xf32, #tpu.memory_space<vmem_shared>> -> memref<128x64xf32, #tpu.memory_space<vmem_shared>>
      %dma_wait3A_118 = arith.constant 0 : i32
      %dma_wait3A_119 = tpu.memref_slice %arg12[%add3A_13, %dma_wait3A_118] : memref<10064x64xf32, #tpu.memory_space<vmem_shared>> -> memref<128x64xf32, #tpu.memory_space<vmem_shared>>
      %dma_wait3A_120 = arith.constant 0 : i32
      %dma_wait3A_121 = arith.constant 0 : i32
      %dma_wait3A_122 = tpu.memref_slice %arg8[%dma_wait3A_120, %dma_wait3A_121] : memref<128x64xf32, #tpu.memory_space<vmem>> -> memref<128x64xf32, #tpu.memory_space<vmem>>
      tpu.wait_dma2 semaphore(%run_scoped3A : memref<!tpu.dma_semaphore, #tpu.memory_space<semaphore_mem>>) src(%dma_wait3A_122 : memref<128x64xf32, #tpu.memory_space<vmem>>) dst(%dma_wait3A_119 : memref<128x64xf32, #tpu.memory_space<vmem_shared>>)
      tpu.yield
    }) : () -> ()
    %add3A_14 = arith.constant 384 : i32
    %add3A_15 = arith.addi %mul3A_7, %add3A_14 : i32
    "tpu.region"() ({
      %run_scoped3A = tpu.sem_alloc : memref<!tpu.dma_semaphore, #tpu.memory_space<semaphore_mem>>
      %dma_start3A_103 = arith.constant 0 : i32
      %dma_start3A_104 = arith.constant 0 : i32
      %dma_start3A_105 = tpu.memref_slice %arg8[%dma_start3A_103, %dma_start3A_104] : memref<128x64xf32, #tpu.memory_space<vmem>> -> memref<128x64xf32, #tpu.memory_space<vmem>>
      %dma_start3A_106 = arith.constant 0 : i32
      %dma_start3A_107 = tpu.memref_slice %arg12[%add3A_15, %dma_start3A_106] : memref<10064x64xf32, #tpu.memory_space<vmem_shared>> -> memref<128x64xf32, #tpu.memory_space<vmem_shared>>
      %dma_start3A_108 = arith.constant 0 : i32
      %dma_start3A_109 = tpu.memref_slice %arg12[%add3A_15, %dma_start3A_108] : memref<10064x64xf32, #tpu.memory_space<vmem_shared>> -> memref<128x64xf32, #tpu.memory_space<vmem_shared>>
      %dma_start3A_110 = arith.constant 0 : i32
      %dma_start3A_111 = arith.constant 0 : i32
      %dma_start3A_112 = tpu.memref_slice %arg8[%dma_start3A_110, %dma_start3A_111] : memref<128x64xf32, #tpu.memory_space<vmem>> -> memref<128x64xf32, #tpu.memory_space<vmem>>
      tpu.enqueue_dma source(%dma_start3A_112 : memref<128x64xf32, #tpu.memory_space<vmem>>) target(%dma_start3A_109 : memref<128x64xf32, #tpu.memory_space<vmem_shared>>) target_semaphore(%run_scoped3A : memref<!tpu.dma_semaphore, #tpu.memory_space<semaphore_mem>>)
      %dma_wait3A_113 = arith.constant 0 : i32
      %dma_wait3A_114 = arith.constant 0 : i32
      %dma_wait3A_115 = tpu.memref_slice %arg8[%dma_wait3A_113, %dma_wait3A_114] : memref<128x64xf32, #tpu.memory_space<vmem>> -> memref<128x64xf32, #tpu.memory_space<vmem>>
      %dma_wait3A_116 = arith.constant 0 : i32
      %dma_wait3A_117 = tpu.memref_slice %arg12[%add3A_15, %dma_wait3A_116] : memref<10064x64xf32, #tpu.memory_space<vmem_shared>> -> memref<128x64xf32, #tpu.memory_space<vmem_shared>>
      %dma_wait3A_118 = arith.constant 0 : i32
      %dma_wait3A_119 = tpu.memref_slice %arg12[%add3A_15, %dma_wait3A_118] : memref<10064x64xf32, #tpu.memory_space<vmem_shared>> -> memref<128x64xf32, #tpu.memory_space<vmem_shared>>
      %dma_wait3A_120 = arith.constant 0 : i32
      %dma_wait3A_121 = arith.constant 0 : i32
      %dma_wait3A_122 = tpu.memref_slice %arg8[%dma_wait3A_120, %dma_wait3A_121] : memref<128x64xf32, #tpu.memory_space<vmem>> -> memref<128x64xf32, #tpu.memory_space<vmem>>
      tpu.wait_dma2 semaphore(%run_scoped3A : memref<!tpu.dma_semaphore, #tpu.memory_space<semaphore_mem>>) src(%dma_wait3A_122 : memref<128x64xf32, #tpu.memory_space<vmem>>) dst(%dma_wait3A_119 : memref<128x64xf32, #tpu.memory_space<vmem_shared>>)
      tpu.yield
    }) : () -> ()
    %add3A_16 = arith.constant 512 : i32
    %add3A_17 = arith.addi %mul3A_7, %add3A_16 : i32
    "tpu.region"() ({
      %run_scoped3A = tpu.sem_alloc : memref<!tpu.dma_semaphore, #tpu.memory_space<semaphore_mem>>
      %dma_start3A_103 = arith.constant 0 : i32
      %dma_start3A_104 = arith.constant 0 : i32
      %dma_start3A_105 = tpu.memref_slice %arg8[%dma_start3A_103, %dma_start3A_104] : memref<128x64xf32, #tpu.memory_space<vmem>> -> memref<117x64xf32, #tpu.memory_space<vmem>>
      %dma_start3A_106 = arith.constant 0 : i32
      %dma_start3A_107 = tpu.memref_slice %arg12[%add3A_17, %dma_start3A_106] : memref<10064x64xf32, #tpu.memory_space<vmem_shared>> -> memref<117x64xf32, #tpu.memory_space<vmem_shared>>
      %dma_start3A_108 = arith.constant 0 : i32
      %dma_start3A_109 = tpu.memref_slice %arg12[%add3A_17, %dma_start3A_108] : memref<10064x64xf32, #tpu.memory_space<vmem_shared>> -> memref<117x64xf32, #tpu.memory_space<vmem_shared>>
      %dma_start3A_110 = arith.constant 0 : i32
      %dma_start3A_111 = arith.constant 0 : i32
      %dma_start3A_112 = tpu.memref_slice %arg8[%dma_start3A_110, %dma_start3A_111] : memref<128x64xf32, #tpu.memory_space<vmem>> -> memref<117x64xf32, #tpu.memory_space<vmem>>
      tpu.enqueue_dma source(%dma_start3A_112 : memref<117x64xf32, #tpu.memory_space<vmem>>) target(%dma_start3A_109 : memref<117x64xf32, #tpu.memory_space<vmem_shared>>) target_semaphore(%run_scoped3A : memref<!tpu.dma_semaphore, #tpu.memory_space<semaphore_mem>>)
      %dma_wait3A_113 = arith.constant 0 : i32
      %dma_wait3A_114 = arith.constant 0 : i32
      %dma_wait3A_115 = tpu.memref_slice %arg8[%dma_wait3A_113, %dma_wait3A_114] : memref<128x64xf32, #tpu.memory_space<vmem>> -> memref<117x64xf32, #tpu.memory_space<vmem>>
      %dma_wait3A_116 = arith.constant 0 : i32
      %dma_wait3A_117 = tpu.memref_slice %arg12[%add3A_17, %dma_wait3A_116] : memref<10064x64xf32, #tpu.memory_space<vmem_shared>> -> memref<117x64xf32, #tpu.memory_space<vmem_shared>>
      %dma_wait3A_118 = arith.constant 0 : i32
      %dma_wait3A_119 = tpu.memref_slice %arg12[%add3A_17, %dma_wait3A_118] : memref<10064x64xf32, #tpu.memory_space<vmem_shared>> -> memref<117x64xf32, #tpu.memory_space<vmem_shared>>
      %dma_wait3A_120 = arith.constant 0 : i32
      %dma_wait3A_121 = arith.constant 0 : i32
      %dma_wait3A_122 = tpu.memref_slice %arg8[%dma_wait3A_120, %dma_wait3A_121] : memref<128x64xf32, #tpu.memory_space<vmem>> -> memref<117x64xf32, #tpu.memory_space<vmem>>
      tpu.wait_dma2 semaphore(%run_scoped3A : memref<!tpu.dma_semaphore, #tpu.memory_space<semaphore_mem>>) src(%dma_wait3A_122 : memref<117x64xf32, #tpu.memory_space<vmem>>) dst(%dma_wait3A_119 : memref<117x64xf32, #tpu.memory_space<vmem_shared>>)
      tpu.yield
    }) : () -> ()
    %barrier3A = arith.constant 0 : index
    tpu.barrier barrier_id(%barrier3A)
    %mul3A_18 = arith.constant 80 : i32
    %mul3A_19 = arith.muli %add3A, %mul3A_18 : i32
    %add3A_20 = arith.constant 0 : i32
    %add3A_21 = arith.addi %mul3A_19, %add3A_20 : i32
    %mul3A_22 = arith.constant 128 : i32
    %mul3A_23 = arith.muli %add3A_21, %mul3A_22 : i32
    %dma_start3A = arith.constant 0 : i32
    %dma_start3A_24 = arith.constant 0 : i32
    %dma_start3A_25 = tpu.memref_slice %arg6[%dma_start3A, %dma_start3A_24] : memref<2x128xi32, #tpu.memory_space<vmem>> -> memref<1x128xi32, #tpu.memory_space<vmem>>
    %dma_start3A_26 = tpu.memref_squeeze %dma_start3A_25 : memref<1x128xi32, #tpu.memory_space<vmem>> -> memref<128xi32, #tpu.memory_space<vmem>>
    %dma_start3A_27 = tpu.memref_slice %arg3[%mul3A_23] : memref<327680xi32, #tpu.memory_space<hbm>> -> memref<128xi32, #tpu.memory_space<hbm>>
    %dma_start3A_28 = arith.constant 0 : i32
    %dma_start3A_29 = tpu.memref_slice %arg6[%dma_start3A, %dma_start3A_28] : memref<2x128xi32, #tpu.memory_space<vmem>> -> memref<1x128xi32, #tpu.memory_space<vmem>>
    %dma_start3A_30 = tpu.memref_squeeze %dma_start3A_29 : memref<1x128xi32, #tpu.memory_space<vmem>> -> memref<128xi32, #tpu.memory_space<vmem>>
    %dma_start3A_31 = tpu.memref_slice %arg3[%mul3A_23] : memref<327680xi32, #tpu.memory_space<hbm>> -> memref<128xi32, #tpu.memory_space<hbm>>
    tpu.enqueue_dma source(%dma_start3A_31 : memref<128xi32, #tpu.memory_space<hbm>>) target(%dma_start3A_30 : memref<128xi32, #tpu.memory_space<vmem>>) target_semaphore(%arg11 : memref<!tpu.dma_semaphore, #tpu.memory_space<semaphore_mem>>)
    %dma_start3A_32 = arith.constant 0 : i32
    %dma_start3A_33 = arith.constant 0 : i32
    %dma_start3A_34 = tpu.memref_slice %arg7[%dma_start3A_32, %dma_start3A_33] : memref<2x128xi32, #tpu.memory_space<vmem>> -> memref<1x128xi32, #tpu.memory_space<vmem>>
    %dma_start3A_35 = tpu.memref_squeeze %dma_start3A_34 : memref<1x128xi32, #tpu.memory_space<vmem>> -> memref<128xi32, #tpu.memory_space<vmem>>
    %dma_start3A_36 = tpu.memref_slice %arg4[%mul3A_23] : memref<327680xi32, #tpu.memory_space<hbm>> -> memref<128xi32, #tpu.memory_space<hbm>>
    %dma_start3A_37 = arith.constant 0 : i32
    %dma_start3A_38 = tpu.memref_slice %arg7[%dma_start3A_32, %dma_start3A_37] : memref<2x128xi32, #tpu.memory_space<vmem>> -> memref<1x128xi32, #tpu.memory_space<vmem>>
    %dma_start3A_39 = tpu.memref_squeeze %dma_start3A_38 : memref<1x128xi32, #tpu.memory_space<vmem>> -> memref<128xi32, #tpu.memory_space<vmem>>
    %dma_start3A_40 = tpu.memref_slice %arg4[%mul3A_23] : memref<327680xi32, #tpu.memory_space<hbm>> -> memref<128xi32, #tpu.memory_space<hbm>>
    tpu.enqueue_dma source(%dma_start3A_40 : memref<128xi32, #tpu.memory_space<hbm>>) target(%dma_start3A_39 : memref<128xi32, #tpu.memory_space<vmem>>) target_semaphore(%arg11 : memref<!tpu.dma_semaphore, #tpu.memory_space<semaphore_mem>>)
    %dma_wait3A = arith.constant 0 : i32
    %dma_wait3A_41 = arith.constant 0 : i32
    %dma_wait3A_42 = tpu.memref_slice %arg6[%dma_wait3A, %dma_wait3A_41] : memref<2x128xi32, #tpu.memory_space<vmem>> -> memref<1x128xi32, #tpu.memory_space<vmem>>
    %dma_wait3A_43 = tpu.memref_squeeze %dma_wait3A_42 : memref<1x128xi32, #tpu.memory_space<vmem>> -> memref<128xi32, #tpu.memory_space<vmem>>
    %dma_wait3A_44 = arith.constant 0 : i32
    %dma_wait3A_45 = tpu.memref_slice %arg3[%dma_wait3A_44] : memref<327680xi32, #tpu.memory_space<hbm>> -> memref<128xi32, #tpu.memory_space<hbm>>
    %dma_wait3A_46 = arith.constant 0 : i32
    %dma_wait3A_47 = tpu.memref_slice %arg6[%dma_wait3A, %dma_wait3A_46] : memref<2x128xi32, #tpu.memory_space<vmem>> -> memref<1x128xi32, #tpu.memory_space<vmem>>
    %dma_wait3A_48 = tpu.memref_squeeze %dma_wait3A_47 : memref<1x128xi32, #tpu.memory_space<vmem>> -> memref<128xi32, #tpu.memory_space<vmem>>
    %dma_wait3A_49 = arith.constant 0 : i32
    %dma_wait3A_50 = tpu.memref_slice %arg3[%dma_wait3A_49] : memref<327680xi32, #tpu.memory_space<hbm>> -> memref<128xi32, #tpu.memory_space<hbm>>
    tpu.wait_dma2 semaphore(%arg11 : memref<!tpu.dma_semaphore, #tpu.memory_space<semaphore_mem>>) src(%dma_wait3A_50 : memref<128xi32, #tpu.memory_space<hbm>>) dst(%dma_wait3A_48 : memref<128xi32, #tpu.memory_space<vmem>>)
    %dma_wait3A_51 = arith.constant 0 : i32
    %dma_wait3A_52 = arith.constant 0 : i32
    %dma_wait3A_53 = tpu.memref_slice %arg7[%dma_wait3A_51, %dma_wait3A_52] : memref<2x128xi32, #tpu.memory_space<vmem>> -> memref<1x128xi32, #tpu.memory_space<vmem>>
    %dma_wait3A_54 = tpu.memref_squeeze %dma_wait3A_53 : memref<1x128xi32, #tpu.memory_space<vmem>> -> memref<128xi32, #tpu.memory_space<vmem>>
    %dma_wait3A_55 = arith.constant 0 : i32
    %dma_wait3A_56 = tpu.memref_slice %arg4[%dma_wait3A_55] : memref<327680xi32, #tpu.memory_space<hbm>> -> memref<128xi32, #tpu.memory_space<hbm>>
    %dma_wait3A_57 = arith.constant 0 : i32
    %dma_wait3A_58 = tpu.memref_slice %arg7[%dma_wait3A_51, %dma_wait3A_57] : memref<2x128xi32, #tpu.memory_space<vmem>> -> memref<1x128xi32, #tpu.memory_space<vmem>>
    %dma_wait3A_59 = tpu.memref_squeeze %dma_wait3A_58 : memref<1x128xi32, #tpu.memory_space<vmem>> -> memref<128xi32, #tpu.memory_space<vmem>>
    %dma_wait3A_60 = arith.constant 0 : i32
    %dma_wait3A_61 = tpu.memref_slice %arg4[%dma_wait3A_60] : memref<327680xi32, #tpu.memory_space<hbm>> -> memref<128xi32, #tpu.memory_space<hbm>>
    tpu.wait_dma2 semaphore(%arg11 : memref<!tpu.dma_semaphore, #tpu.memory_space<semaphore_mem>>) src(%dma_wait3A_61 : memref<128xi32, #tpu.memory_space<hbm>>) dst(%dma_wait3A_59 : memref<128xi32, #tpu.memory_space<vmem>>)
    %dma_start3A_62 = arith.constant 0 : i32
    %dma_start3A_63 = arith.constant 0 : i32
    %dma_start3A_64 = tpu.memref_slice %arg6[%dma_start3A_62, %dma_start3A_63] : memref<2x128xi32, #tpu.memory_space<vmem>> -> memref<1x128xi32, #tpu.memory_space<vmem>>
    %dma_start3A_65 = tpu.memref_squeeze %dma_start3A_64 : memref<1x128xi32, #tpu.memory_space<vmem>> -> memref<128xi32, #tpu.memory_space<vmem>>
    %dma_start3A_66 = arith.constant 0 : i32
    %dma_start3A_67 = arith.constant 0 : i32
    %dma_start3A_68 = tpu.memref_slice %arg2[%dma_start3A_66, %dma_start3A_67] : memref<10000x64xf32, #tpu.memory_space<hbm>> -> memref<10000x64xf32, #tpu.memory_space<hbm>>
    tpu.enqueue_indirect_dma source(%dma_start3A_68 : memref<10000x64xf32, #tpu.memory_space<hbm>>) target(%arg8 : memref<128x64xf32, #tpu.memory_space<vmem>>) offsets(%dma_start3A_65 : memref<128xi32, #tpu.memory_space<vmem>>) semaphore(%arg10 : memref<!tpu.dma_semaphore, #tpu.memory_space<semaphore_mem>>)
    %mul3A_69 = arith.constant 80 : i32
    %mul3A_70 = arith.muli %add3A, %mul3A_69 : i32
    %add3A_71 = arith.constant 1 : i32
    %add3A_72 = arith.addi %mul3A_70, %add3A_71 : i32
    %mul3A_73 = arith.constant 128 : i32
    %mul3A_74 = arith.muli %add3A_72, %mul3A_73 : i32
    %dma_start3A_75 = arith.constant 1 : i32
    %dma_start3A_76 = arith.constant 0 : i32
    %dma_start3A_77 = tpu.memref_slice %arg6[%dma_start3A_75, %dma_start3A_76] : memref<2x128xi32, #tpu.memory_space<vmem>> -> memref<1x128xi32, #tpu.memory_space<vmem>>
    %dma_start3A_78 = tpu.memref_squeeze %dma_start3A_77 : memref<1x128xi32, #tpu.memory_space<vmem>> -> memref<128xi32, #tpu.memory_space<vmem>>
    %dma_start3A_79 = tpu.memref_slice %arg3[%mul3A_74] : memref<327680xi32, #tpu.memory_space<hbm>> -> memref<128xi32, #tpu.memory_space<hbm>>
    %dma_start3A_80 = arith.constant 0 : i32
    %dma_start3A_81 = tpu.memref_slice %arg6[%dma_start3A_75, %dma_start3A_80] : memref<2x128xi32, #tpu.memory_space<vmem>> -> memref<1x128xi32, #tpu.memory_space<vmem>>
    %dma_start3A_82 = tpu.memref_squeeze %dma_start3A_81 : memref<1x128xi32, #tpu.memory_space<vmem>> -> memref<128xi32, #tpu.memory_space<vmem>>
    %dma_start3A_83 = tpu.memref_slice %arg3[%mul3A_74] : memref<327680xi32, #tpu.memory_space<hbm>> -> memref<128xi32, #tpu.memory_space<hbm>>
    tpu.enqueue_dma source(%dma_start3A_83 : memref<128xi32, #tpu.memory_space<hbm>>) target(%dma_start3A_82 : memref<128xi32, #tpu.memory_space<vmem>>) target_semaphore(%arg11 : memref<!tpu.dma_semaphore, #tpu.memory_space<semaphore_mem>>)
    %dma_start3A_84 = arith.constant 1 : i32
    %dma_start3A_85 = arith.constant 0 : i32
    %dma_start3A_86 = tpu.memref_slice %arg7[%dma_start3A_84, %dma_start3A_85] : memref<2x128xi32, #tpu.memory_space<vmem>> -> memref<1x128xi32, #tpu.memory_space<vmem>>
    %dma_start3A_87 = tpu.memref_squeeze %dma_start3A_86 : memref<1x128xi32, #tpu.memory_space<vmem>> -> memref<128xi32, #tpu.memory_space<vmem>>
    %dma_start3A_88 = tpu.memref_slice %arg4[%mul3A_74] : memref<327680xi32, #tpu.memory_space<hbm>> -> memref<128xi32, #tpu.memory_space<hbm>>
    %dma_start3A_89 = arith.constant 0 : i32
    %dma_start3A_90 = tpu.memref_slice %arg7[%dma_start3A_84, %dma_start3A_89] : memref<2x128xi32, #tpu.memory_space<vmem>> -> memref<1x128xi32, #tpu.memory_space<vmem>>
    %dma_start3A_91 = tpu.memref_squeeze %dma_start3A_90 : memref<1x128xi32, #tpu.memory_space<vmem>> -> memref<128xi32, #tpu.memory_space<vmem>>
    %dma_start3A_92 = tpu.memref_slice %arg4[%mul3A_74] : memref<327680xi32, #tpu.memory_space<hbm>> -> memref<128xi32, #tpu.memory_space<hbm>>
    tpu.enqueue_dma source(%dma_start3A_92 : memref<128xi32, #tpu.memory_space<hbm>>) target(%dma_start3A_91 : memref<128xi32, #tpu.memory_space<vmem>>) target_semaphore(%arg11 : memref<!tpu.dma_semaphore, #tpu.memory_space<semaphore_mem>>)
    %scan3A_93 = arith.constant 0 : i32
    %scan3A_94 = arith.constant 40 : i32
    %scan3A_95 = arith.addi %scan3A_93, %scan3A_94 : i32
    %scan3A_96 = arith.constant 1 : i32
    scf.for %scan3A_103 = %scan3A_93 to %scan3A_95 step %scan3A_96  : i32 {
      %mul3A_104 = arith.constant 1 : i32
      %mul3A_105 = arith.muli %scan3A_103, %mul3A_104 : i32
      %add3A_106 = arith.constant 0 : i32
      %add3A_107 = arith.addi %add3A_106, %mul3A_105 : i32
      %mul3A_108 = arith.constant 2 : i32
      %mul3A_109 = arith.muli %mul3A_108, %add3A_107 : i32
      %dma_wait3A_110 = arith.constant 0 : i32
      %dma_wait3A_111 = arith.constant 0 : i32
      %dma_wait3A_112 = tpu.memref_slice %arg2[%dma_wait3A_110, %dma_wait3A_111] : memref<10000x64xf32, #tpu.memory_space<hbm>> -> memref<128x64xf32, #tpu.memory_space<hbm>>
      %dma_wait3A_113 = arith.constant 0 : i32
      %dma_wait3A_114 = arith.constant 0 : i32
      %dma_wait3A_115 = tpu.memref_slice %arg2[%dma_wait3A_113, %dma_wait3A_114] : memref<10000x64xf32, #tpu.memory_space<hbm>> -> memref<128x64xf32, #tpu.memory_space<hbm>>
      tpu.wait_dma2 semaphore(%arg10 : memref<!tpu.dma_semaphore, #tpu.memory_space<semaphore_mem>>) src(%dma_wait3A_115 : memref<128x64xf32, #tpu.memory_space<hbm>>) dst(%arg8 : memref<128x64xf32, #tpu.memory_space<vmem>>)
      %dma_wait3A_116 = arith.constant 1 : i32
      %dma_wait3A_117 = arith.constant 0 : i32
      %dma_wait3A_118 = tpu.memref_slice %arg6[%dma_wait3A_116, %dma_wait3A_117] : memref<2x128xi32, #tpu.memory_space<vmem>> -> memref<1x128xi32, #tpu.memory_space<vmem>>
      %dma_wait3A_119 = tpu.memref_squeeze %dma_wait3A_118 : memref<1x128xi32, #tpu.memory_space<vmem>> -> memref<128xi32, #tpu.memory_space<vmem>>
      %dma_wait3A_120 = arith.constant 0 : i32
      %dma_wait3A_121 = tpu.memref_slice %arg3[%dma_wait3A_120] : memref<327680xi32, #tpu.memory_space<hbm>> -> memref<128xi32, #tpu.memory_space<hbm>>
      %dma_wait3A_122 = arith.constant 0 : i32
      %dma_wait3A_123 = tpu.memref_slice %arg6[%dma_wait3A_116, %dma_wait3A_122] : memref<2x128xi32, #tpu.memory_space<vmem>> -> memref<1x128xi32, #tpu.memory_space<vmem>>
      %dma_wait3A_124 = tpu.memref_squeeze %dma_wait3A_123 : memref<1x128xi32, #tpu.memory_space<vmem>> -> memref<128xi32, #tpu.memory_space<vmem>>
      %dma_wait3A_125 = arith.constant 0 : i32
      %dma_wait3A_126 = tpu.memref_slice %arg3[%dma_wait3A_125] : memref<327680xi32, #tpu.memory_space<hbm>> -> memref<128xi32, #tpu.memory_space<hbm>>
      tpu.wait_dma2 semaphore(%arg11 : memref<!tpu.dma_semaphore, #tpu.memory_space<semaphore_mem>>) src(%dma_wait3A_126 : memref<128xi32, #tpu.memory_space<hbm>>) dst(%dma_wait3A_124 : memref<128xi32, #tpu.memory_space<vmem>>)
      %dma_wait3A_127 = arith.constant 1 : i32
      %dma_wait3A_128 = arith.constant 0 : i32
      %dma_wait3A_129 = tpu.memref_slice %arg7[%dma_wait3A_127, %dma_wait3A_128] : memref<2x128xi32, #tpu.memory_space<vmem>> -> memref<1x128xi32, #tpu.memory_space<vmem>>
      %dma_wait3A_130 = tpu.memref_squeeze %dma_wait3A_129 : memref<1x128xi32, #tpu.memory_space<vmem>> -> memref<128xi32, #tpu.memory_space<vmem>>
      %dma_wait3A_131 = arith.constant 0 : i32
      %dma_wait3A_132 = tpu.memref_slice %arg4[%dma_wait3A_131] : memref<327680xi32, #tpu.memory_space<hbm>> -> memref<128xi32, #tpu.memory_space<hbm>>
      %dma_wait3A_133 = arith.constant 0 : i32
      %dma_wait3A_134 = tpu.memref_slice %arg7[%dma_wait3A_127, %dma_wait3A_133] : memref<2x128xi32, #tpu.memory_space<vmem>> -> memref<1x128xi32, #tpu.memory_space<vmem>>
      %dma_wait3A_135 = tpu.memref_squeeze %dma_wait3A_134 : memref<1x128xi32, #tpu.memory_space<vmem>> -> memref<128xi32, #tpu.memory_space<vmem>>
      %dma_wait3A_136 = arith.constant 0 : i32
      %dma_wait3A_137 = tpu.memref_slice %arg4[%dma_wait3A_136] : memref<327680xi32, #tpu.memory_space<hbm>> -> memref<128xi32, #tpu.memory_space<hbm>>
      tpu.wait_dma2 semaphore(%arg11 : memref<!tpu.dma_semaphore, #tpu.memory_space<semaphore_mem>>) src(%dma_wait3A_137 : memref<128xi32, #tpu.memory_space<hbm>>) dst(%dma_wait3A_135 : memref<128xi32, #tpu.memory_space<vmem>>)
      %dma_start3A_138 = arith.constant 1 : i32
      %dma_start3A_139 = arith.constant 0 : i32
      %dma_start3A_140 = tpu.memref_slice %arg6[%dma_start3A_138, %dma_start3A_139] : memref<2x128xi32, #tpu.memory_space<vmem>> -> memref<1x128xi32, #tpu.memory_space<vmem>>
      %dma_start3A_141 = tpu.memref_squeeze %dma_start3A_140 : memref<1x128xi32, #tpu.memory_space<vmem>> -> memref<128xi32, #tpu.memory_space<vmem>>
      %dma_start3A_142 = arith.constant 0 : i32
      %dma_start3A_143 = arith.constant 0 : i32
      %dma_start3A_144 = tpu.memref_slice %arg2[%dma_start3A_142, %dma_start3A_143] : memref<10000x64xf32, #tpu.memory_space<hbm>> -> memref<10000x64xf32, #tpu.memory_space<hbm>>
      tpu.enqueue_indirect_dma source(%dma_start3A_144 : memref<10000x64xf32, #tpu.memory_space<hbm>>) target(%arg9 : memref<128x64xf32, #tpu.memory_space<vmem>>) offsets(%dma_start3A_141 : memref<128xi32, #tpu.memory_space<vmem>>) semaphore(%arg10 : memref<!tpu.dma_semaphore, #tpu.memory_space<semaphore_mem>>)
      %run_scoped3A = arith.constant 0 : i32
      "tpu.region"() ({
        %run_scoped3A_172 = tpu.sem_alloc : memref<!tpu.dma_semaphore, #tpu.memory_space<semaphore_mem>>
        %dma_start3A_173 = arith.constant 0 : i32
        %dma_start3A_174 = tpu.memref_slice %arg7[%run_scoped3A, %dma_start3A_173] : memref<2x128xi32, #tpu.memory_space<vmem>> -> memref<1x128xi32, #tpu.memory_space<vmem>>
        %dma_start3A_175 = tpu.memref_squeeze %dma_start3A_174 : memref<1x128xi32, #tpu.memory_space<vmem>> -> memref<128xi32, #tpu.memory_space<vmem>>
        %dma_start3A_176 = arith.constant 0 : i32
        %dma_start3A_177 = arith.constant 0 : i32
        %dma_start3A_178 = tpu.memref_slice %arg12[%dma_start3A_176, %dma_start3A_177] : memref<10064x64xf32, #tpu.memory_space<vmem_shared>> -> memref<10064x64xf32, #tpu.memory_space<vmem_shared>>
        tpu.enqueue_indirect_dma source(%arg8 : memref<128x64xf32, #tpu.memory_space<vmem>>) target(%dma_start3A_178 : memref<10064x64xf32, #tpu.memory_space<vmem_shared>>) offsets(%dma_start3A_175 : memref<128xi32, #tpu.memory_space<vmem>>) semaphore(%run_scoped3A_172 : memref<!tpu.dma_semaphore, #tpu.memory_space<semaphore_mem>>) {add = true}
        %dma_wait3A_179 = arith.constant 0 : i32
        %dma_wait3A_180 = tpu.memref_slice %arg7[%run_scoped3A, %dma_wait3A_179] : memref<2x128xi32, #tpu.memory_space<vmem>> -> memref<1x128xi32, #tpu.memory_space<vmem>>
        %dma_wait3A_181 = tpu.memref_squeeze %dma_wait3A_180 : memref<1x128xi32, #tpu.memory_space<vmem>> -> memref<128xi32, #tpu.memory_space<vmem>>
        %dma_wait3A_182 = arith.constant 0 : i32
        %dma_wait3A_183 = arith.constant 0 : i32
        %dma_wait3A_184 = tpu.memref_slice %arg12[%dma_wait3A_182, %dma_wait3A_183] : memref<10064x64xf32, #tpu.memory_space<vmem_shared>> -> memref<10064x64xf32, #tpu.memory_space<vmem_shared>>
        tpu.wait_indirect_dma semaphore(%run_scoped3A_172 : memref<!tpu.dma_semaphore, #tpu.memory_space<semaphore_mem>>) src(%arg8 : memref<128x64xf32, #tpu.memory_space<vmem>>) dst(%dma_wait3A_184 : memref<10064x64xf32, #tpu.memory_space<vmem_shared>>)
        tpu.yield
      }) : () -> ()
      %add3A_145 = arith.constant 2 : i32
      %add3A_146 = arith.addi %mul3A_109, %add3A_145 : i32
      %lt3A = arith.constant 80 : i32
      %lt3A_147 = arith.cmpi slt, %add3A_146, %lt3A : i32
      %convert_element_type3A_148 = arith.extui %lt3A_147 : i1 to i32
      %cond3A_149 = arith.constant 0 : i32
      %cond3A_150 = arith.cmpi ne, %convert_element_type3A_148, %cond3A_149 : i32
      scf.if %cond3A_150 {
        %add3A_172 = arith.constant 2 : i32
        %add3A_173 = arith.addi %mul3A_109, %add3A_172 : i32
        %mul3A_174 = arith.constant 80 : i32
        %mul3A_175 = arith.muli %add3A, %mul3A_174 : i32
        %add3A_176 = arith.addi %mul3A_175, %add3A_173 : i32
        %mul3A_177 = arith.constant 128 : i32
        %mul3A_178 = arith.muli %add3A_176, %mul3A_177 : i32
        %dma_start3A_179 = arith.constant 0 : i32
        %dma_start3A_180 = arith.constant 0 : i32
        %dma_start3A_181 = tpu.memref_slice %arg6[%dma_start3A_179, %dma_start3A_180] : memref<2x128xi32, #tpu.memory_space<vmem>> -> memref<1x128xi32, #tpu.memory_space<vmem>>
        %dma_start3A_182 = tpu.memref_squeeze %dma_start3A_181 : memref<1x128xi32, #tpu.memory_space<vmem>> -> memref<128xi32, #tpu.memory_space<vmem>>
        %dma_start3A_183 = tpu.memref_slice %arg3[%mul3A_178] : memref<327680xi32, #tpu.memory_space<hbm>> -> memref<128xi32, #tpu.memory_space<hbm>>
        %dma_start3A_184 = arith.constant 0 : i32
        %dma_start3A_185 = tpu.memref_slice %arg6[%dma_start3A_179, %dma_start3A_184] : memref<2x128xi32, #tpu.memory_space<vmem>> -> memref<1x128xi32, #tpu.memory_space<vmem>>
        %dma_start3A_186 = tpu.memref_squeeze %dma_start3A_185 : memref<1x128xi32, #tpu.memory_space<vmem>> -> memref<128xi32, #tpu.memory_space<vmem>>
        %dma_start3A_187 = tpu.memref_slice %arg3[%mul3A_178] : memref<327680xi32, #tpu.memory_space<hbm>> -> memref<128xi32, #tpu.memory_space<hbm>>
        tpu.enqueue_dma source(%dma_start3A_187 : memref<128xi32, #tpu.memory_space<hbm>>) target(%dma_start3A_186 : memref<128xi32, #tpu.memory_space<vmem>>) target_semaphore(%arg11 : memref<!tpu.dma_semaphore, #tpu.memory_space<semaphore_mem>>)
        %dma_start3A_188 = arith.constant 0 : i32
        %dma_start3A_189 = arith.constant 0 : i32
        %dma_start3A_190 = tpu.memref_slice %arg7[%dma_start3A_188, %dma_start3A_189] : memref<2x128xi32, #tpu.memory_space<vmem>> -> memref<1x128xi32, #tpu.memory_space<vmem>>
        %dma_start3A_191 = tpu.memref_squeeze %dma_start3A_190 : memref<1x128xi32, #tpu.memory_space<vmem>> -> memref<128xi32, #tpu.memory_space<vmem>>
        %dma_start3A_192 = tpu.memref_slice %arg4[%mul3A_178] : memref<327680xi32, #tpu.memory_space<hbm>> -> memref<128xi32, #tpu.memory_space<hbm>>
        %dma_start3A_193 = arith.constant 0 : i32
        %dma_start3A_194 = tpu.memref_slice %arg7[%dma_start3A_188, %dma_start3A_193] : memref<2x128xi32, #tpu.memory_space<vmem>> -> memref<1x128xi32, #tpu.memory_space<vmem>>
        %dma_start3A_195 = tpu.memref_squeeze %dma_start3A_194 : memref<1x128xi32, #tpu.memory_space<vmem>> -> memref<128xi32, #tpu.memory_space<vmem>>
        %dma_start3A_196 = tpu.memref_slice %arg4[%mul3A_178] : memref<327680xi32, #tpu.memory_space<hbm>> -> memref<128xi32, #tpu.memory_space<hbm>>
        tpu.enqueue_dma source(%dma_start3A_196 : memref<128xi32, #tpu.memory_space<hbm>>) target(%dma_start3A_195 : memref<128xi32, #tpu.memory_space<vmem>>) target_semaphore(%arg11 : memref<!tpu.dma_semaphore, #tpu.memory_space<semaphore_mem>>)
      } else {
      }
      %dma_wait3A_151 = arith.constant 0 : i32
      %dma_wait3A_152 = arith.constant 0 : i32
      %dma_wait3A_153 = tpu.memref_slice %arg2[%dma_wait3A_151, %dma_wait3A_152] : memref<10000x64xf32, #tpu.memory_space<hbm>> -> memref<128x64xf32, #tpu.memory_space<hbm>>
      %dma_wait3A_154 = arith.constant 0 : i32
      %dma_wait3A_155 = arith.constant 0 : i32
      %dma_wait3A_156 = tpu.memref_slice %arg2[%dma_wait3A_154, %dma_wait3A_155] : memref<10000x64xf32, #tpu.memory_space<hbm>> -> memref<128x64xf32, #tpu.memory_space<hbm>>
      tpu.wait_dma2 semaphore(%arg10 : memref<!tpu.dma_semaphore, #tpu.memory_space<semaphore_mem>>) src(%dma_wait3A_156 : memref<128x64xf32, #tpu.memory_space<hbm>>) dst(%arg9 : memref<128x64xf32, #tpu.memory_space<vmem>>)
      %add3A_157 = arith.constant 2 : i32
      %add3A_158 = arith.addi %mul3A_109, %add3A_157 : i32
      %lt3A_159 = arith.constant 80 : i32
      %lt3A_160 = arith.cmpi slt, %add3A_158, %lt3A_159 : i32
      %convert_element_type3A_161 = arith.extui %lt3A_160 : i1 to i32
      %cond3A_162 = arith.constant 0 : i32
      %cond3A_163 = arith.cmpi ne, %convert_element_type3A_161, %cond3A_162 : i32
      scf.if %cond3A_163 {
        %dma_wait3A_172 = arith.constant 0 : i32
        %dma_wait3A_173 = arith.constant 0 : i32
        %dma_wait3A_174 = tpu.memref_slice %arg6[%dma_wait3A_172, %dma_wait3A_173] : memref<2x128xi32, #tpu.memory_space<vmem>> -> memref<1x128xi32, #tpu.memory_space<vmem>>
        %dma_wait3A_175 = tpu.memref_squeeze %dma_wait3A_174 : memref<1x128xi32, #tpu.memory_space<vmem>> -> memref<128xi32, #tpu.memory_space<vmem>>
        %dma_wait3A_176 = arith.constant 0 : i32
        %dma_wait3A_177 = tpu.memref_slice %arg3[%dma_wait3A_176] : memref<327680xi32, #tpu.memory_space<hbm>> -> memref<128xi32, #tpu.memory_space<hbm>>
        %dma_wait3A_178 = arith.constant 0 : i32
        %dma_wait3A_179 = tpu.memref_slice %arg6[%dma_wait3A_172, %dma_wait3A_178] : memref<2x128xi32, #tpu.memory_space<vmem>> -> memref<1x128xi32, #tpu.memory_space<vmem>>
        %dma_wait3A_180 = tpu.memref_squeeze %dma_wait3A_179 : memref<1x128xi32, #tpu.memory_space<vmem>> -> memref<128xi32, #tpu.memory_space<vmem>>
        %dma_wait3A_181 = arith.constant 0 : i32
        %dma_wait3A_182 = tpu.memref_slice %arg3[%dma_wait3A_181] : memref<327680xi32, #tpu.memory_space<hbm>> -> memref<128xi32, #tpu.memory_space<hbm>>
        tpu.wait_dma2 semaphore(%arg11 : memref<!tpu.dma_semaphore, #tpu.memory_space<semaphore_mem>>) src(%dma_wait3A_182 : memref<128xi32, #tpu.memory_space<hbm>>) dst(%dma_wait3A_180 : memref<128xi32, #tpu.memory_space<vmem>>)
        %dma_wait3A_183 = arith.constant 0 : i32
        %dma_wait3A_184 = arith.constant 0 : i32
        %dma_wait3A_185 = tpu.memref_slice %arg7[%dma_wait3A_183, %dma_wait3A_184] : memref<2x128xi32, #tpu.memory_space<vmem>> -> memref<1x128xi32, #tpu.memory_space<vmem>>
        %dma_wait3A_186 = tpu.memref_squeeze %dma_wait3A_185 : memref<1x128xi32, #tpu.memory_space<vmem>> -> memref<128xi32, #tpu.memory_space<vmem>>
        %dma_wait3A_187 = arith.constant 0 : i32
        %dma_wait3A_188 = tpu.memref_slice %arg4[%dma_wait3A_187] : memref<327680xi32, #tpu.memory_space<hbm>> -> memref<128xi32, #tpu.memory_space<hbm>>
        %dma_wait3A_189 = arith.constant 0 : i32
        %dma_wait3A_190 = tpu.memref_slice %arg7[%dma_wait3A_183, %dma_wait3A_189] : memref<2x128xi32, #tpu.memory_space<vmem>> -> memref<1x128xi32, #tpu.memory_space<vmem>>
        %dma_wait3A_191 = tpu.memref_squeeze %dma_wait3A_190 : memref<1x128xi32, #tpu.memory_space<vmem>> -> memref<128xi32, #tpu.memory_space<vmem>>
        %dma_wait3A_192 = arith.constant 0 : i32
        %dma_wait3A_193 = tpu.memref_slice %arg4[%dma_wait3A_192] : memref<327680xi32, #tpu.memory_space<hbm>> -> memref<128xi32, #tpu.memory_space<hbm>>
        tpu.wait_dma2 semaphore(%arg11 : memref<!tpu.dma_semaphore, #tpu.memory_space<semaphore_mem>>) src(%dma_wait3A_193 : memref<128xi32, #tpu.memory_space<hbm>>) dst(%dma_wait3A_191 : memref<128xi32, #tpu.memory_space<vmem>>)
        %dma_start3A_194 = arith.constant 0 : i32
        %dma_start3A_195 = arith.constant 0 : i32
        %dma_start3A_196 = tpu.memref_slice %arg6[%dma_start3A_194, %dma_start3A_195] : memref<2x128xi32, #tpu.memory_space<vmem>> -> memref<1x128xi32, #tpu.memory_space<vmem>>
        %dma_start3A_197 = tpu.memref_squeeze %dma_start3A_196 : memref<1x128xi32, #tpu.memory_space<vmem>> -> memref<128xi32, #tpu.memory_space<vmem>>
        %dma_start3A_198 = arith.constant 0 : i32
        %dma_start3A_199 = arith.constant 0 : i32
        %dma_start3A_200 = tpu.memref_slice %arg2[%dma_start3A_198, %dma_start3A_199] : memref<10000x64xf32, #tpu.memory_space<hbm>> -> memref<10000x64xf32, #tpu.memory_space<hbm>>
        tpu.enqueue_indirect_dma source(%dma_start3A_200 : memref<10000x64xf32, #tpu.memory_space<hbm>>) target(%arg8 : memref<128x64xf32, #tpu.memory_space<vmem>>) offsets(%dma_start3A_197 : memref<128xi32, #tpu.memory_space<vmem>>) semaphore(%arg10 : memref<!tpu.dma_semaphore, #tpu.memory_space<semaphore_mem>>)
      } else {
      }
      %run_scoped3A_164 = arith.constant 1 : i32
      "tpu.region"() ({
        %run_scoped3A_172 = tpu.sem_alloc : memref<!tpu.dma_semaphore, #tpu.memory_space<semaphore_mem>>
        %dma_start3A_173 = arith.constant 0 : i32
        %dma_start3A_174 = tpu.memref_slice %arg7[%run_scoped3A_164, %dma_start3A_173] : memref<2x128xi32, #tpu.memory_space<vmem>> -> memref<1x128xi32, #tpu.memory_space<vmem>>
        %dma_start3A_175 = tpu.memref_squeeze %dma_start3A_174 : memref<1x128xi32, #tpu.memory_space<vmem>> -> memref<128xi32, #tpu.memory_space<vmem>>
        %dma_start3A_176 = arith.constant 0 : i32
        %dma_start3A_177 = arith.constant 0 : i32
        %dma_start3A_178 = tpu.memref_slice %arg12[%dma_start3A_176, %dma_start3A_177] : memref<10064x64xf32, #tpu.memory_space<vmem_shared>> -> memref<10064x64xf32, #tpu.memory_space<vmem_shared>>
        tpu.enqueue_indirect_dma source(%arg9 : memref<128x64xf32, #tpu.memory_space<vmem>>) target(%dma_start3A_178 : memref<10064x64xf32, #tpu.memory_space<vmem_shared>>) offsets(%dma_start3A_175 : memref<128xi32, #tpu.memory_space<vmem>>) semaphore(%run_scoped3A_172 : memref<!tpu.dma_semaphore, #tpu.memory_space<semaphore_mem>>) {add = true}
        %dma_wait3A_179 = arith.constant 0 : i32
        %dma_wait3A_180 = tpu.memref_slice %arg7[%run_scoped3A_164, %dma_wait3A_179] : memref<2x128xi32, #tpu.memory_space<vmem>> -> memref<1x128xi32, #tpu.memory_space<vmem>>
        %dma_wait3A_181 = tpu.memref_squeeze %dma_wait3A_180 : memref<1x128xi32, #tpu.memory_space<vmem>> -> memref<128xi32, #tpu.memory_space<vmem>>
        %dma_wait3A_182 = arith.constant 0 : i32
        %dma_wait3A_183 = arith.constant 0 : i32
        %dma_wait3A_184 = tpu.memref_slice %arg12[%dma_wait3A_182, %dma_wait3A_183] : memref<10064x64xf32, #tpu.memory_space<vmem_shared>> -> memref<10064x64xf32, #tpu.memory_space<vmem_shared>>
        tpu.wait_indirect_dma semaphore(%run_scoped3A_172 : memref<!tpu.dma_semaphore, #tpu.memory_space<semaphore_mem>>) src(%arg9 : memref<128x64xf32, #tpu.memory_space<vmem>>) dst(%dma_wait3A_184 : memref<10064x64xf32, #tpu.memory_space<vmem_shared>>)
        tpu.yield
      }) : () -> ()
      %add3A_165 = arith.constant 3 : i32
      %add3A_166 = arith.addi %mul3A_109, %add3A_165 : i32
      %lt3A_167 = arith.constant 80 : i32
      %lt3A_168 = arith.cmpi slt, %add3A_166, %lt3A_167 : i32
      %convert_element_type3A_169 = arith.extui %lt3A_168 : i1 to i32
      %cond3A_170 = arith.constant 0 : i32
      %cond3A_171 = arith.cmpi ne, %convert_element_type3A_169, %cond3A_170 : i32
      scf.if %cond3A_171 {
        %add3A_172 = arith.constant 3 : i32
        %add3A_173 = arith.addi %mul3A_109, %add3A_172 : i32
        %mul3A_174 = arith.constant 80 : i32
        %mul3A_175 = arith.muli %add3A, %mul3A_174 : i32
        %add3A_176 = arith.addi %mul3A_175, %add3A_173 : i32
        %mul3A_177 = arith.constant 128 : i32
        %mul3A_178 = arith.muli %add3A_176, %mul3A_177 : i32
        %dma_start3A_179 = arith.constant 1 : i32
        %dma_start3A_180 = arith.constant 0 : i32
        %dma_start3A_181 = tpu.memref_slice %arg6[%dma_start3A_179, %dma_start3A_180] : memref<2x128xi32, #tpu.memory_space<vmem>> -> memref<1x128xi32, #tpu.memory_space<vmem>>
        %dma_start3A_182 = tpu.memref_squeeze %dma_start3A_181 : memref<1x128xi32, #tpu.memory_space<vmem>> -> memref<128xi32, #tpu.memory_space<vmem>>
        %dma_start3A_183 = tpu.memref_slice %arg3[%mul3A_178] : memref<327680xi32, #tpu.memory_space<hbm>> -> memref<128xi32, #tpu.memory_space<hbm>>
        %dma_start3A_184 = arith.constant 0 : i32
        %dma_start3A_185 = tpu.memref_slice %arg6[%dma_start3A_179, %dma_start3A_184] : memref<2x128xi32, #tpu.memory_space<vmem>> -> memref<1x128xi32, #tpu.memory_space<vmem>>
        %dma_start3A_186 = tpu.memref_squeeze %dma_start3A_185 : memref<1x128xi32, #tpu.memory_space<vmem>> -> memref<128xi32, #tpu.memory_space<vmem>>
        %dma_start3A_187 = tpu.memref_slice %arg3[%mul3A_178] : memref<327680xi32, #tpu.memory_space<hbm>> -> memref<128xi32, #tpu.memory_space<hbm>>
        tpu.enqueue_dma source(%dma_start3A_187 : memref<128xi32, #tpu.memory_space<hbm>>) target(%dma_start3A_186 : memref<128xi32, #tpu.memory_space<vmem>>) target_semaphore(%arg11 : memref<!tpu.dma_semaphore, #tpu.memory_space<semaphore_mem>>)
        %dma_start3A_188 = arith.constant 1 : i32
        %dma_start3A_189 = arith.constant 0 : i32
        %dma_start3A_190 = tpu.memref_slice %arg7[%dma_start3A_188, %dma_start3A_189] : memref<2x128xi32, #tpu.memory_space<vmem>> -> memref<1x128xi32, #tpu.memory_space<vmem>>
        %dma_start3A_191 = tpu.memref_squeeze %dma_start3A_190 : memref<1x128xi32, #tpu.memory_space<vmem>> -> memref<128xi32, #tpu.memory_space<vmem>>
        %dma_start3A_192 = tpu.memref_slice %arg4[%mul3A_178] : memref<327680xi32, #tpu.memory_space<hbm>> -> memref<128xi32, #tpu.memory_space<hbm>>
        %dma_start3A_193 = arith.constant 0 : i32
        %dma_start3A_194 = tpu.memref_slice %arg7[%dma_start3A_188, %dma_start3A_193] : memref<2x128xi32, #tpu.memory_space<vmem>> -> memref<1x128xi32, #tpu.memory_space<vmem>>
        %dma_start3A_195 = tpu.memref_squeeze %dma_start3A_194 : memref<1x128xi32, #tpu.memory_space<vmem>> -> memref<128xi32, #tpu.memory_space<vmem>>
        %dma_start3A_196 = tpu.memref_slice %arg4[%mul3A_178] : memref<327680xi32, #tpu.memory_space<hbm>> -> memref<128xi32, #tpu.memory_space<hbm>>
        tpu.enqueue_dma source(%dma_start3A_196 : memref<128xi32, #tpu.memory_space<hbm>>) target(%dma_start3A_195 : memref<128xi32, #tpu.memory_space<vmem>>) target_semaphore(%arg11 : memref<!tpu.dma_semaphore, #tpu.memory_space<semaphore_mem>>)
      } else {
      }
    }
    %scan3A_97 = arith.constant 40 : i32
    %barrier3A_98 = arith.constant 0 : index
    tpu.barrier barrier_id(%barrier3A_98)
    %mul3A_99 = arith.constant 624 : i32
    %mul3A_100 = arith.muli %arg1, %mul3A_99 : i32
    "tpu.region"() ({
      %run_scoped3A = tpu.sem_alloc : memref<!tpu.dma_semaphore, #tpu.memory_space<semaphore_mem>>
      %dma_start3A_103 = arith.constant 0 : i32
      %dma_start3A_104 = tpu.memref_slice %arg5[%arg0, %mul3A_100, %dma_start3A_103] : memref<2x10000x64xf32, #tpu.memory_space<hbm>> -> memref<1x624x64xf32, #tpu.memory_space<hbm>>
      %dma_start3A_105 = tpu.memref_squeeze %dma_start3A_104 : memref<1x624x64xf32, #tpu.memory_space<hbm>> -> memref<624x64xf32, #tpu.memory_space<hbm>>
      %dma_start3A_106 = arith.constant 0 : i32
      %dma_start3A_107 = tpu.memref_slice %arg12[%mul3A_100, %dma_start3A_106] : memref<10064x64xf32, #tpu.memory_space<vmem_shared>> -> memref<624x64xf32, #tpu.memory_space<vmem_shared>>
      tpu.enqueue_dma source(%dma_start3A_107 : memref<624x64xf32, #tpu.memory_space<vmem_shared>>) target(%dma_start3A_105 : memref<624x64xf32, #tpu.memory_space<hbm>>) target_semaphore(%run_scoped3A : memref<!tpu.dma_semaphore, #tpu.memory_space<semaphore_mem>>)
      %dma_wait3A_108 = arith.constant 0 : i32
      %dma_wait3A_109 = tpu.memref_slice %arg5[%arg0, %mul3A_100, %dma_wait3A_108] : memref<2x10000x64xf32, #tpu.memory_space<hbm>> -> memref<1x624x64xf32, #tpu.memory_space<hbm>>
      %dma_wait3A_110 = tpu.memref_squeeze %dma_wait3A_109 : memref<1x624x64xf32, #tpu.memory_space<hbm>> -> memref<624x64xf32, #tpu.memory_space<hbm>>
      %dma_wait3A_111 = arith.constant 0 : i32
      %dma_wait3A_112 = tpu.memref_slice %arg12[%mul3A_100, %dma_wait3A_111] : memref<10064x64xf32, #tpu.memory_space<vmem_shared>> -> memref<624x64xf32, #tpu.memory_space<vmem_shared>>
      tpu.wait_dma2 semaphore(%run_scoped3A : memref<!tpu.dma_semaphore, #tpu.memory_space<semaphore_mem>>) src(%dma_wait3A_112 : memref<624x64xf32, #tpu.memory_space<vmem_shared>>) dst(%dma_wait3A_110 : memref<624x64xf32, #tpu.memory_space<hbm>>)
      tpu.yield
    }) : () -> ()
    %eq3A = arith.constant 0 : i32
    %eq3A_101 = arith.cmpi eq, %arg1, %eq3A : i32
    %convert_element_type3A = arith.extui %eq3A_101 : i1 to i32
    %cond3A = arith.constant 0 : i32
    %cond3A_102 = arith.cmpi ne, %convert_element_type3A, %cond3A : i32
    scf.if %cond3A_102 {
      "tpu.region"() ({
        %run_scoped3A = tpu.sem_alloc : memref<!tpu.dma_semaphore, #tpu.memory_space<semaphore_mem>>
        %dma_start3A_103 = arith.constant 9984 : i32
        %dma_start3A_104 = arith.constant 0 : i32
        %dma_start3A_105 = tpu.memref_slice %arg5[%arg0, %dma_start3A_103, %dma_start3A_104] : memref<2x10000x64xf32, #tpu.memory_space<hbm>> -> memref<1x16x64xf32, #tpu.memory_space<hbm>>
        %dma_start3A_106 = tpu.memref_squeeze %dma_start3A_105 : memref<1x16x64xf32, #tpu.memory_space<hbm>> -> memref<16x64xf32, #tpu.memory_space<hbm>>
        %dma_start3A_107 = arith.constant 9984 : i32
        %dma_start3A_108 = arith.constant 0 : i32
        %dma_start3A_109 = tpu.memref_slice %arg12[%dma_start3A_107, %dma_start3A_108] : memref<10064x64xf32, #tpu.memory_space<vmem_shared>> -> memref<16x64xf32, #tpu.memory_space<vmem_shared>>
        tpu.enqueue_dma source(%dma_start3A_109 : memref<16x64xf32, #tpu.memory_space<vmem_shared>>) target(%dma_start3A_106 : memref<16x64xf32, #tpu.memory_space<hbm>>) target_semaphore(%run_scoped3A : memref<!tpu.dma_semaphore, #tpu.memory_space<semaphore_mem>>)
        %dma_wait3A_110 = arith.constant 9984 : i32
        %dma_wait3A_111 = arith.constant 0 : i32
        %dma_wait3A_112 = tpu.memref_slice %arg5[%arg0, %dma_wait3A_110, %dma_wait3A_111] : memref<2x10000x64xf32, #tpu.memory_space<hbm>> -> memref<1x16x64xf32, #tpu.memory_space<hbm>>
        %dma_wait3A_113 = tpu.memref_squeeze %dma_wait3A_112 : memref<1x16x64xf32, #tpu.memory_space<hbm>> -> memref<16x64xf32, #tpu.memory_space<hbm>>
        %dma_wait3A_114 = arith.constant 9984 : i32
        %dma_wait3A_115 = arith.constant 0 : i32
        %dma_wait3A_116 = tpu.memref_slice %arg12[%dma_wait3A_114, %dma_wait3A_115] : memref<10064x64xf32, #tpu.memory_space<vmem_shared>> -> memref<16x64xf32, #tpu.memory_space<vmem_shared>>
        tpu.wait_dma2 semaphore(%run_scoped3A : memref<!tpu.dma_semaphore, #tpu.memory_space<semaphore_mem>>) src(%dma_wait3A_116 : memref<16x64xf32, #tpu.memory_space<vmem_shared>>) dst(%dma_wait3A_113 : memref<16x64xf32, #tpu.memory_space<hbm>>)
        tpu.yield
      }) : () -> ()
    } else {
    }
    return
  }
}

module attributes {stable_mosaic.version = 14 : i64} {
  func.func @_tc_mid(%arg0: i32, %arg1: memref<400x128xf32, #tpu.memory_space<vmem>>, %arg2: memref<128x128xf32, #tpu.memory_space<vmem>>, %arg3: memref<128x128xf32, #tpu.memory_space<vmem>>, %arg4: memref<1x128xf32, #tpu.memory_space<vmem>>, %arg5: memref<128x64xf32, #tpu.memory_space<vmem>>, %arg6: memref<128x64xf32, #tpu.memory_space<vmem>>, %arg7: memref<1x64xf32, #tpu.memory_space<vmem>>, %arg8: memref<2x400x144xf32, #tpu.memory_space<vmem>>, %arg9: memref<400x64xf32, #tpu.memory_space<vmem>>, %arg10: memref<400x64xf32, #tpu.memory_space<vmem>>, %arg11: memref<400x8xf32, #tpu.memory_space<vmem>>) attributes {dimension_semantics = [#tpu.dimension_semantics<arbitrary>], iteration_bounds = array<i64: 25>, scalar_prefetch = 0 : i64, scratch_operands = 0 : i64, tpu.core_type = #tpu.core_type<tc>, window_params = [{transform_indices = @transform_0, window_bounds = array<i64: 400, 128>}, {pipeline_mode = #tpu.pipeline_mode<synchronous>, transform_indices = @transform_1, window_bounds = array<i64: 128, 128>}, {pipeline_mode = #tpu.pipeline_mode<synchronous>, transform_indices = @transform_2, window_bounds = array<i64: 128, 128>}, {pipeline_mode = #tpu.pipeline_mode<synchronous>, transform_indices = @transform_3, window_bounds = array<i64: 1, 128>}, {pipeline_mode = #tpu.pipeline_mode<synchronous>, transform_indices = @transform_4, window_bounds = array<i64: 128, 64>}, {pipeline_mode = #tpu.pipeline_mode<synchronous>, transform_indices = @transform_5, window_bounds = array<i64: 128, 64>}, {pipeline_mode = #tpu.pipeline_mode<synchronous>, transform_indices = @transform_6, window_bounds = array<i64: 1, 64>}, {transform_indices = @transform_7, window_bounds = array<i64: 2, 400, 144>}, {transform_indices = @transform_8, window_bounds = array<i64: 400, 64>}, {transform_indices = @transform_9, window_bounds = array<i64: 400, 64>}, {transform_indices = @transform_10, window_bounds = array<i64: 400, 8>}]} {
    %get3A = arith.constant 0 : index
    %get3A_0 = arith.constant 0 : index
    %get3A_1 = arith.constant 128 : index
    %get3A_2 = vector.load %arg8[%get3A, %get3A_0, %get3A_1] : memref<2x400x144xf32, #tpu.memory_space<vmem>>, vector<1x400x1xf32>
    %get3A_3 = vector.shape_cast %get3A_2 : vector<1x400x1xf32> to vector<400x1xf32>
    %get3A_4 = arith.constant 1 : index
    %get3A_5 = arith.constant 0 : index
    %get3A_6 = arith.constant 128 : index
    %get3A_7 = vector.load %arg8[%get3A_4, %get3A_5, %get3A_6] : memref<2x400x144xf32, #tpu.memory_space<vmem>>, vector<1x400x1xf32>
    %get3A_8 = vector.shape_cast %get3A_7 : vector<1x400x1xf32> to vector<400x1xf32>
    %add3A = arith.addf %get3A_3, %get3A_8 : vector<400x1xf32>
    %max3A = arith.constant 1.000000e+00 : f32
    %max3A_9 = vector.broadcast %max3A : f32 to vector<400x1xf32>
    %max3A_10 = arith.maximumf %add3A, %max3A_9 : vector<400x1xf32>
    %div3A = arith.constant 1.000000e+00 : f32
    %div3A_11 = vector.broadcast %div3A : f32 to vector<400x1xf32>
    %div3A_12 = arith.divf %div3A_11, %max3A_10 : vector<400x1xf32>
    %get3A_13 = arith.constant 0 : index
    %get3A_14 = arith.constant 0 : index
    %get3A_15 = arith.constant 0 : index
    %get3A_16 = vector.load %arg8[%get3A_13, %get3A_14, %get3A_15] : memref<2x400x144xf32, #tpu.memory_space<vmem>>, vector<1x400x128xf32>
    %get3A_17 = vector.shape_cast %get3A_16 : vector<1x400x128xf32> to vector<400x128xf32>
    %get3A_18 = arith.constant 1 : index
    %get3A_19 = arith.constant 0 : index
    %get3A_20 = arith.constant 0 : index
    %get3A_21 = vector.load %arg8[%get3A_18, %get3A_19, %get3A_20] : memref<2x400x144xf32, #tpu.memory_space<vmem>>, vector<1x400x128xf32>
    %get3A_22 = vector.shape_cast %get3A_21 : vector<1x400x128xf32> to vector<400x128xf32>
    %add3A_23 = arith.addf %get3A_17, %get3A_22 : vector<400x128xf32>
    %mul3A = vector.broadcast %div3A_12 : vector<400x1xf32> to vector<400x128xf32>
    %mul3A_24 = arith.mulf %add3A_23, %mul3A : vector<400x128xf32>
    %get3A_25 = arith.constant 0 : index
    %get3A_26 = arith.constant 0 : index
    %get3A_27 = vector.load %arg1[%get3A_25, %get3A_26] : memref<400x128xf32, #tpu.memory_space<vmem>>, vector<400x128xf32>
    %get3A_28 = arith.constant 0 : index
    %get3A_29 = arith.constant 0 : index
    %get3A_30 = vector.load %arg2[%get3A_28, %get3A_29] : memref<128x128xf32, #tpu.memory_space<vmem>>, vector<128x128xf32>
    %dot_general3A = arith.constant dense<0.000000e+00> : vector<400x128xf32>
    %dot_general3A_31 = tpu.matmul %get3A_27, %get3A_30, %dot_general3A {dimension_numbers = #tpu.dot_dimension_numbers<[1], [0], [0], [1], [0, 0, 1, 1], [], []>, precision = #tpu.contract_precision<fp32>, transpose_lhs_hint = false} : vector<400x128xf32>, vector<128x128xf32>, vector<400x128xf32> -> vector<400x128xf32>
    %get3A_32 = arith.constant 0 : index
    %get3A_33 = arith.constant 0 : index
    %get3A_34 = vector.load %arg3[%get3A_32, %get3A_33] : memref<128x128xf32, #tpu.memory_space<vmem>>, vector<128x128xf32>
    %dot_general3A_35 = arith.constant dense<0.000000e+00> : vector<400x128xf32>
    %dot_general3A_36 = tpu.matmul %mul3A_24, %get3A_34, %dot_general3A_35 {dimension_numbers = #tpu.dot_dimension_numbers<[1], [0], [0], [1], [0, 0, 1, 1], [], []>, precision = #tpu.contract_precision<fp32>, transpose_lhs_hint = false} : vector<400x128xf32>, vector<128x128xf32>, vector<400x128xf32> -> vector<400x128xf32>
    %add3A_37 = arith.addf %dot_general3A_31, %dot_general3A_36 : vector<400x128xf32>
    %get3A_38 = arith.constant 0 : index
    %get3A_39 = arith.constant 0 : index
    %get3A_40 = vector.load %arg4[%get3A_38, %get3A_39] : memref<1x128xf32, #tpu.memory_space<vmem>>, vector<1x128xf32>
    %add3A_41 = vector.broadcast %get3A_40 : vector<1x128xf32> to vector<400x128xf32>
    %add3A_42 = arith.addf %add3A_37, %add3A_41 : vector<400x128xf32>
    %max3A_43 = arith.constant 0.000000e+00 : f32
    %max3A_44 = vector.broadcast %max3A_43 : f32 to vector<400x128xf32>
    %max3A_45 = arith.maximumf %add3A_42, %max3A_44 : vector<400x128xf32>
    %get3A_46 = arith.constant 0 : index
    %get3A_47 = arith.constant 0 : index
    %get3A_48 = vector.load %arg6[%get3A_46, %get3A_47] : memref<128x64xf32, #tpu.memory_space<vmem>>, vector<128x64xf32>
    %dot_general3A_49 = arith.constant dense<0.000000e+00> : vector<400x64xf32>
    %dot_general3A_50 = tpu.matmul %max3A_45, %get3A_48, %dot_general3A_49 {dimension_numbers = #tpu.dot_dimension_numbers<[1], [0], [0], [1], [0, 0, 1, 1], [], []>, precision = #tpu.contract_precision<fp32>, transpose_lhs_hint = false} : vector<400x128xf32>, vector<128x64xf32>, vector<400x64xf32> -> vector<400x64xf32>
    %swap3A = arith.constant 0 : index
    %swap3A_51 = arith.constant 0 : index
    %swap3A_52 = vector.load %arg9[%swap3A, %swap3A_51] : memref<400x64xf32, #tpu.memory_space<vmem>>, vector<400x64xf32>
    tpu.vector_store %arg9[%swap3A, %swap3A_51], %dot_general3A_50 {strides = array<i32>} : memref<400x64xf32, #tpu.memory_space<vmem>>, vector<400x64xf32>,
    %get3A_53 = arith.constant 0 : index
    %get3A_54 = arith.constant 0 : index
    %get3A_55 = vector.load %arg5[%get3A_53, %get3A_54] : memref<128x64xf32, #tpu.memory_space<vmem>>, vector<128x64xf32>
    %dot_general3A_56 = arith.constant dense<0.000000e+00> : vector<400x64xf32>
    %dot_general3A_57 = tpu.matmul %max3A_45, %get3A_55, %dot_general3A_56 {dimension_numbers = #tpu.dot_dimension_numbers<[1], [0], [0], [1], [0, 0, 1, 1], [], []>, precision = #tpu.contract_precision<fp32>, transpose_lhs_hint = false} : vector<400x128xf32>, vector<128x64xf32>, vector<400x64xf32> -> vector<400x64xf32>
    %get3A_58 = arith.constant 0 : index
    %get3A_59 = arith.constant 0 : index
    %get3A_60 = vector.load %arg7[%get3A_58, %get3A_59] : memref<1x64xf32, #tpu.memory_space<vmem>>, vector<1x64xf32>
    %add3A_61 = vector.broadcast %get3A_60 : vector<1x64xf32> to vector<400x64xf32>
    %add3A_62 = arith.addf %dot_general3A_57, %add3A_61 : vector<400x64xf32>
    %swap3A_63 = arith.constant 0 : index
    %swap3A_64 = arith.constant 0 : index
    %swap3A_65 = vector.load %arg10[%swap3A_63, %swap3A_64] : memref<400x64xf32, #tpu.memory_space<vmem>>, vector<400x64xf32>
    tpu.vector_store %arg10[%swap3A_63, %swap3A_64], %add3A_62 {strides = array<i32>} : memref<400x64xf32, #tpu.memory_space<vmem>>, vector<400x64xf32>,
    %broadcast_in_dim3A = vector.shape_cast %div3A_12 : vector<400x1xf32> to vector<400x1xf32>
    %broadcast_in_dim3A_66 = vector.broadcast %broadcast_in_dim3A : vector<400x1xf32> to vector<400x8xf32>
    %swap3A_67 = arith.constant 0 : index
    %swap3A_68 = arith.constant 0 : index
    %swap3A_69 = vector.load %arg11[%swap3A_67, %swap3A_68] : memref<400x8xf32, #tpu.memory_space<vmem>>, vector<400x8xf32>
    tpu.vector_store %arg11[%swap3A_67, %swap3A_68], %broadcast_in_dim3A_66 {strides = array<i32>} : memref<400x8xf32, #tpu.memory_space<vmem>>, vector<400x8xf32>,
    return
  }
  func.func @transform_0(%arg0: i32) -> (i32, i32) {
    %c0_i32 = arith.constant 0 : i32
    %c0_i32_0 = arith.constant 0 : i32
    return %arg0, %c0_i32 : i32, i32
  }
  func.func @transform_1(%arg0: i32) -> (i32, i32) {
    %c0_i32 = arith.constant 0 : i32
    %c0_i32_0 = arith.constant 0 : i32
    %c0_i32_1 = arith.constant 0 : i32
    return %c0_i32, %c0_i32_0 : i32, i32
  }
  func.func @transform_2(%arg0: i32) -> (i32, i32) {
    %c0_i32 = arith.constant 0 : i32
    %c0_i32_0 = arith.constant 0 : i32
    %c0_i32_1 = arith.constant 0 : i32
    return %c0_i32, %c0_i32_0 : i32, i32
  }
  func.func @transform_3(%arg0: i32) -> (i32, i32) {
    %c0_i32 = arith.constant 0 : i32
    %c0_i32_0 = arith.constant 0 : i32
    %c0_i32_1 = arith.constant 0 : i32
    return %c0_i32, %c0_i32_0 : i32, i32
  }
  func.func @transform_4(%arg0: i32) -> (i32, i32) {
    %c0_i32 = arith.constant 0 : i32
    %c0_i32_0 = arith.constant 0 : i32
    %c0_i32_1 = arith.constant 0 : i32
    return %c0_i32, %c0_i32_0 : i32, i32
  }
  func.func @transform_5(%arg0: i32) -> (i32, i32) {
    %c0_i32 = arith.constant 0 : i32
    %c0_i32_0 = arith.constant 0 : i32
    %c0_i32_1 = arith.constant 0 : i32
    return %c0_i32, %c0_i32_0 : i32, i32
  }
  func.func @transform_6(%arg0: i32) -> (i32, i32) {
    %c0_i32 = arith.constant 0 : i32
    %c0_i32_0 = arith.constant 0 : i32
    %c0_i32_1 = arith.constant 0 : i32
    return %c0_i32, %c0_i32_0 : i32, i32
  }
  func.func @transform_7(%arg0: i32) -> (i32, i32, i32) {
    %c0_i32 = arith.constant 0 : i32
    %c0_i32_0 = arith.constant 0 : i32
    %c0_i32_1 = arith.constant 0 : i32
    return %c0_i32, %arg0, %c0_i32_0 : i32, i32, i32
  }
  func.func @transform_8(%arg0: i32) -> (i32, i32) {
    %c0_i32 = arith.constant 0 : i32
    %c0_i32_0 = arith.constant 0 : i32
    return %arg0, %c0_i32 : i32, i32
  }
  func.func @transform_9(%arg0: i32) -> (i32, i32) {
    %c0_i32 = arith.constant 0 : i32
    %c0_i32_0 = arith.constant 0 : i32
    return %arg0, %c0_i32 : i32, i32
  }
  func.func @transform_10(%arg0: i32) -> (i32, i32) {
    %c0_i32 = arith.constant 0 : i32
    %c0_i32_0 = arith.constant 0 : i32
    return %arg0, %c0_i32 : i32, i32
  }
}

module attributes {stable_mosaic.version = 14 : i64} {
  func.func @_tc_final(%arg0: i32, %arg1: memref<400x64xf32, #tpu.memory_space<vmem>>, %arg2: memref<2x400x64xf32, #tpu.memory_space<vmem>>, %arg3: memref<400x8xf32, #tpu.memory_space<vmem>>, %arg4: memref<400x64xf32, #tpu.memory_space<vmem>>) attributes {dimension_semantics = [#tpu.dimension_semantics<arbitrary>], iteration_bounds = array<i64: 25>, scalar_prefetch = 0 : i64, scratch_operands = 0 : i64, tpu.core_type = #tpu.core_type<tc>, window_params = [{transform_indices = @transform_0, window_bounds = array<i64: 400, 64>}, {transform_indices = @transform_1, window_bounds = array<i64: 2, 400, 64>}, {transform_indices = @transform_2, window_bounds = array<i64: 400, 8>}, {transform_indices = @transform_3, window_bounds = array<i64: 400, 64>}]} {
    %get3A = arith.constant 0 : index
    %get3A_0 = arith.constant 0 : index
    %get3A_1 = vector.load %arg1[%get3A, %get3A_0] : memref<400x64xf32, #tpu.memory_space<vmem>>, vector<400x64xf32>
    %get3A_2 = arith.constant 0 : index
    %get3A_3 = arith.constant 0 : index
    %get3A_4 = arith.constant 0 : index
    %get3A_5 = vector.load %arg2[%get3A_2, %get3A_3, %get3A_4] : memref<2x400x64xf32, #tpu.memory_space<vmem>>, vector<1x400x64xf32>
    %get3A_6 = vector.shape_cast %get3A_5 : vector<1x400x64xf32> to vector<400x64xf32>
    %get3A_7 = arith.constant 1 : index
    %get3A_8 = arith.constant 0 : index
    %get3A_9 = arith.constant 0 : index
    %get3A_10 = vector.load %arg2[%get3A_7, %get3A_8, %get3A_9] : memref<2x400x64xf32, #tpu.memory_space<vmem>>, vector<1x400x64xf32>
    %get3A_11 = vector.shape_cast %get3A_10 : vector<1x400x64xf32> to vector<400x64xf32>
    %add3A = arith.addf %get3A_6, %get3A_11 : vector<400x64xf32>
    %get3A_12 = arith.constant 0 : index
    %get3A_13 = arith.constant 0 : index
    %get3A_14 = vector.load %arg3[%get3A_12, %get3A_13] : memref<400x8xf32, #tpu.memory_space<vmem>>, vector<400x1xf32>
    %mul3A = vector.broadcast %get3A_14 : vector<400x1xf32> to vector<400x64xf32>
    %mul3A_15 = arith.mulf %add3A, %mul3A : vector<400x64xf32>
    %add3A_16 = arith.addf %get3A_1, %mul3A_15 : vector<400x64xf32>
    %swap3A = arith.constant 0 : index
    %swap3A_17 = arith.constant 0 : index
    %swap3A_18 = vector.load %arg4[%swap3A, %swap3A_17] : memref<400x64xf32, #tpu.memory_space<vmem>>, vector<400x64xf32>
    tpu.vector_store %arg4[%swap3A, %swap3A_17], %add3A_16 {strides = array<i32>} : memref<400x64xf32, #tpu.memory_space<vmem>>, vector<400x64xf32>,
    return
  }
  func.func @transform_0(%arg0: i32) -> (i32, i32) {
    %c0_i32 = arith.constant 0 : i32
    %c0_i32_0 = arith.constant 0 : i32
    return %arg0, %c0_i32 : i32, i32
  }
  func.func @transform_1(%arg0: i32) -> (i32, i32, i32) {
    %c0_i32 = arith.constant 0 : i32
    %c0_i32_0 = arith.constant 0 : i32
    %c0_i32_1 = arith.constant 0 : i32
    return %c0_i32, %arg0, %c0_i32_0 : i32, i32, i32
  }
  func.func @transform_2(%arg0: i32) -> (i32, i32) {
    %c0_i32 = arith.constant 0 : i32
    %c0_i32_0 = arith.constant 0 : i32
    return %arg0, %c0_i32 : i32, i32
  }
  func.func @transform_3(%arg0: i32) -> (i32, i32) {
    %c0_i32 = arith.constant 0 : i32
    %c0_i32_0 = arith.constant 0 : i32
    return %arg0, %c0_i32 : i32, i32
  }
}

</mosaic_0001>

<sc_bundles>
// kernel: kernel.6.cloned.1.call-start
scs
__scs_entry_jumppad:
0x0: {  	(pc) =	sbr.rel $0x88, $3  }
0x1: {  	(tag) =	ssettag $0x0;
	lr =	simm.s32 $0x1  }
0x2: {  	[smem:$0x3F99] =	sst lr;
	_ =	strace $0xD0000000  }
0x3: {  	_ = 	snop  }
0x4: {  	_ = 	snop  }
0x5: {  	_ = 	snop  }
0x6: {  	_ = 	snop  }
0x7: {  	_ = 	snop  }
__scs_overlays_trampoline_lowered:
0x8: {  	[smem:$0x3FA8] =	sst s0  }
0x9: {  	[smem:$0x3FA9] =	sst s1  }
0xa: {  	[smem:$0x3FAA] =	sst s2  }
0xb: {  	[smem:$0x3FAB] =	sst s3  }
0xc: {  	[smem:$0x3FAC] =	sst s4  }
0xd: {  	[smem:$0x3FAD] =	sst s5  }
0xe: {  	[smem:$0x3FAE] =	sst s6  }
0xf: {  	[smem:$0x3FAF] =	sst s7  }
0x10: {  	[smem:$0x3FB0] =	sst s8  }
0x11: {  	[smem:$0x3FB1] =	sst s9;
	s0 =	simm.s32 @!p0 $0x0  }
0x12: {  	s1 =	sld [smem:$0x3F97];
	s0 =	simm.s32 @p0 $0x1  }
0x13: {  	[smem:$0x3FB2] =	sst s0;
	s0 =	simm.s32 @!p1 $0x0  }
0x14: {  	s2 =	sld [smem:$0x3F96];
	s0 =	simm.s32 @p1 $0x1  }
0x15: {  	[smem:$0x3FB3] =	sst s0;
	s0 =	simm.s32 @!p2 $0x0  }
0x16: {  	s3 =	sld [smem:$0x3FDB];
	s0 =	simm.s32 @p2 $0x1  }
0x17: {  	s4 =	simm.s32 $0x1BF5;
	[smem:$0x3FB5] =	sst s0  }
0x18: {  	s0 =	sld [smem:$0x3F98];
	_ =	swait.ge [sflag:s4], $0x0  }
0x19: {  	s7 =	sld [smem:$0x3F99]  }
0x1a: {  	s8 =	sadd.s32 $0xFFFFE003, lr  }
0x1b: {  	s9 =	sadd.s32 $0xFFFFFEF7, lr;
	s5 =	simm.s32 $0xFFFFFFFF;
	p2 =	slt.u32 s8, $0xFFFFF086  }
0x1c: {  	p1 =	slt.u32 s9, $0xF7A;
	s5 =	simm.s32 @!p2 $0x0  }
0x1d: {  	s5 =	simm.s32 @p1 $0x1;
	p0 =	seq.s32 s7, s2  }
0x1e: {  	s7 =	smul.u32 @!p0 $0xF7A, s2;
	p2 =	seq.s32 @!p0 s5, $0x0  }
0x1f: {  	s9 =	smul.u32 $0xF7A, s1;
	s8 =	simm.s32 @!p0 $0x1BF5;
	p2 =	por !p2, p0  }
0x20: {  	[sflag:s8] =	ssyncset.s32 @!p0 $0xFFFFF086;
	s6 =	sadd.s32 @!p0 s3, s7;
	s7 =	simm.s32 @!p0 $0x108  }
0x21: {  	s3 =	sadd.s32 s3, s9;
	s6 =	sadd.s32 @!p0 $0x88, s6;
	s7 =	simm.s32 @p2 $0x1082  }
0x22: {  	[simem:s7], [sflag:s8] =	dma.local @!p0 [hbm:s6], $0xF7A  }
0x23: {  	s9 =	sor.u32 $0xD0000000, s2;
	s6 =	simm.s32 $0x108;
	_ =	swait.ge @!p0 [sflag:s8], $0x0  }
0x24: {  	s3 =	sadd.s32 $0x88, s3;
	s6 =	simm.s32 @!p1 $0x1082;
	[sflag:s4] =	ssyncset.s32 $0xFFFFF086  }
0x25: {  	[simem:s6], [sflag:s4] =	dma.local [hbm:s3], $0xF7A  }
0x26: {  	[smem:$0x3F99] =	sst s1;
	(tag) =	ssettag s2;
	_ =	strace s9  }
0x27: {  	s1 =	sld [smem:$0x3FA9]  }
0x28: {  	s2 =	sld [smem:$0x3FAA]  }
0x29: {  	s4 =	sld [smem:$0x3FAC]  }
0x2a: {  	p0 =	seq.s32 s5, $0x0;
	s5 =	sld [smem:$0x3FAD]  }
0x2b: {  	s6 =	sld [smem:$0x3FAE]  }
0x2c: {  	s7 =	sld [smem:$0x3FAF]  }
0x2d: {  	s3 =	simm.s32 $0x108;
	s8 =	sld [smem:$0x3FB0]  }
0x2e: {  	s3 =	simm.s32 @!p0 $0x1082;
	s9 =	sld [smem:$0x3FB1]  }
0x2f: {  	lr =	sadd.s32 s0, s3;
	s0 =	sld [smem:$0x3FA8]  }
0x30: {  	s3 =	sld [smem:$0x3FAB]  }
0x31: {  	[smem:$0x3FB4] =	sst s10  }
0x32: {  	s10 =	sld [smem:$0x3FB2];
	_ =	sdelay $0x3  }
0x33: {  	p0 =	seq.s32 s10, $0x1;
	s10 =	sld [smem:$0x3FB4];
	_ =	sdelay $0x3  }
0x34: {  	[smem:$0x3FB4] =	sst s10  }
0x35: {  	s10 =	sld [smem:$0x3FB3];
	_ =	sdelay $0x3  }
0x36: {  	p1 =	seq.s32 s10, $0x1;
	s10 =	sld [smem:$0x3FB4];
	_ =	sdelay $0x3  }
0x37: {  	[smem:$0x3FB4] =	sst s10  }
0x38: {  	s10 =	sld [smem:$0x3FB5]  }
0x39: {  	_ = 	snop;
	(pc) =	sbr.ind lr, $3  }
0x3a: {  	_ = 	snop  }
0x3b: {  	_ = 	snop  }
0x3c: {  	p2 =	seq.s32 s10, $0x1;
	s10 =	sld [smem:$0x3FB4]  }
0x3d: {  	_ =	shalt  }
0x3e: {  	_ =	shalt  }
0x3f: {  	_ =	shalt  }
0x40: {  	_ =	shalt  }
0x41: {  	_ =	shalt  }
0x42: {  	_ =	shalt  }
0x43: {  	_ =	shalt  }
0x44: {  	_ =	shalt  }
0x45: {  	_ =	shalt  }
0x46: {  	_ =	shalt  }
0x47: {  	_ =	shalt  }
0x48: {  	_ =	shalt  }
0x49: {  	_ =	shalt  }
0x4a: {  	_ =	shalt  }
0x4b: {  	_ =	shalt  }
0x4c: {  	_ =	shalt  }
0x4d: {  	_ =	shalt  }
0x4e: {  	_ =	shalt  }
0x4f: {  	_ =	shalt  }
0x50: {  	_ =	shalt  }
0x51: {  	_ =	shalt  }
0x52: {  	_ =	shalt  }
0x53: {  	_ =	shalt  }
0x54: {  	_ =	shalt  }
0x55: {  	_ =	shalt  }
0x56: {  	_ =	shalt  }
0x57: {  	_ =	shalt  }
0x58: {  	_ =	shalt  }
0x59: {  	_ =	shalt  }
0x5a: {  	_ =	shalt  }
0x5b: {  	_ =	shalt  }
0x5c: {  	_ =	shalt  }
0x5d: {  	_ =	shalt  }
0x5e: {  	_ =	shalt  }
0x5f: {  	_ =	shalt  }
0x60: {  	_ =	shalt  }
0x61: {  	_ =	shalt  }
0x62: {  	_ =	shalt  }
0x63: {  	_ =	shalt  }
0x64: {  	_ =	shalt  }
0x65: {  	_ =	shalt  }
0x66: {  	_ =	shalt  }
0x67: {  	_ =	shalt  }
0x68: {  	_ =	shalt  }
0x69: {  	_ =	shalt  }
0x6a: {  	_ =	shalt  }
0x6b: {  	_ =	shalt  }
0x6c: {  	_ =	shalt  }
0x6d: {  	_ =	shalt  }
0x6e: {  	_ =	shalt  }
0x6f: {  	_ =	shalt  }
0x70: {  	_ =	shalt  }
0x71: {  	_ =	shalt  }
0x72: {  	_ =	shalt  }
0x73: {  	_ =	shalt  }
0x74: {  	_ =	shalt  }
0x75: {  	_ =	shalt  }
0x76: {  	_ =	shalt  }
0x77: {  	_ =	shalt  }
0x78: {  	_ =	shalt  }
0x79: {  	_ =	shalt  }
0x7a: {  	_ =	shalt  }
0x7b: {  	_ =	shalt  }
0x7c: {  	_ =	shalt  }
0x7d: {  	_ =	shalt  }
0x7e: {  	_ =	shalt  }
0x7f: {  	_ =	shalt  }
0x80: {  	_ =	shalt  }
0x81: {  	_ =	shalt  }
0x82: {  	_ =	shalt  }
0x83: {  	_ =	shalt  }
0x84: {  	_ =	shalt  }
0x85: {  	_ =	shalt  }
0x86: {  	_ =	shalt  }
0x87: {  	_ =	shalt  }
.Lfunc_end0:
.L_simem_size_0:
called_computation_lowered:
.L_overlay_start_0:
0x88: {  	s2 =	sld [smem:$0x3FD9]  }
0x89: {  	s3 =	sld [smem:$0x3FFE];
	_ =	sdelay $0x1  }
0x8a: {  	s1 =	srdreg.scid  }
0x8b: {  	s0 =	sand.u32 $0x1, s1  }
0x8c: {  	s16 =	sshll.u32 s0, $0xA;
	s2 =	sadd.s32 s3, s2  }
0x8d: {  	s2 =	sadd.s32 s2, s16  }
0x8e: {  	[smem:$0x3FC0] =	sst s2  }
0x8f: {  	_ = 	snop  }
0x90: {  	(tm) =	ssettm $0x1  }
0x91: {  	s17 =	sld [smem:$0x3FFB];
	_ =	sdelay $0x3  }
0x92: {  	_ =	strace s17  }
0x93: {  	s2 =	sld [smem:$0x3FFC];
	_ =	sdelay $0x3  }
0x94: {  	_ =	strace s2  }
0x95: {  	s2 =	sld [smem:$0x3FFD];
	_ =	sdelay $0x3  }
0x96: {  	_ =	strace s2  }
0x97: {  	_ =	strace $0x8FFFFFFF  }
0x98: {  	s18 =	sld [smem:$0x3FDB];
	_ =	sdelay $0x1  }
0x99: {  	s19 =	simm.s32 $_scs_section_size  }
0x9a: {  	s4 =	simm.s32 $_size__tile_overlayer_lowered;
	s5 =	simm.s32 $_tile_overlayer_lowered  }
0x9b: {  	s22 =	simm.s32 $0x1BFF;
	s21 =	sshll.u32 s5, $0x1;
	s2 =	sadd.s32 s19, s18  }
0x9c: {  	s6 =	simm.s32 $0x0;
	s20 =	sshll.u32 s4, $0x1;
	s4 =	sadd.s32 s21, s2  }
0x9d: {  	[timem:s6], [sflag:s22] =	dma.local [hbm:s4], s20  }
0x9e: {  	_ =	swait.ge [sflag:s22], s20  }
0x9f: {  	s3 =	ssub.s32 $0x0, s20;
	[sflag:s22] =	ssyncset.done $0x0  }
0xa0: {  	[sflag:s22] =	ssyncadd.s32 s3;
	_ =	sdelay $0x1  }
0xa1: {  	s23 =	simm.s32 $0x1B8B  }
0xa2: {  	_ =	swait.ge [sflag:s23], $0x1  }
0xa3: {  	[sflag:s23] =	ssyncset.done $0x0  }
0xa4: {  	s25 =	simm.s32 $0x1B8E;
	s24 =	sld [smem:$0x3FFE];
	[sflag:s23] =	ssyncadd.s32 $0xFFFFFFFF  }
0xa5: {  	s26 =	simm.s32 $execute0_lowered;
	[smem:$0x3FD2] =	sst s25  }
0xa6: {  	s4 =	sshll.u32 s26, $0x1;
	_ =	strace $0x80000046;
	[dreg:$0x1] =	wrdreg $0xFFFFFFFF  }
0xa7: {  	s28 =	simm.s32 $_size_execute0_lowered;
	s2 =	sadd.s32 s2, s4;
	[dreg:$0x0] =	wrdreg $0x0  }
0xa8: {  	s4 =	sshll.u32 s28, $0x1;
	[dreg:$0x2] =	wrdreg s2  }
0xa9: {  	[dreg:$0x3] =	wrdreg s4  }
0xaa: {  	[dreg:$0x4] =	wrdreg $0xC0  }
0xab: {  	_ =	task [dreg:s6], $0x5FFFF  }
0xac: {  	[dreg:$0x1] =	wrdreg $0xFFFFFFFF  }
0xad: {  	[dreg:$0x0] =	wrdreg $0x60  }
0xae: {  	[dreg:$0x2] =	wrdreg s24  }
0xaf: {  	[dreg:$0x3] =	wrdreg $0x92000  }
0xb0: {  	[dreg:$0x4] =	wrdreg $0x9  }
0xb1: {  	_ =	task.clear_ibuf [dreg:s6], $0x5FFFF;
	_ =	strace $0x90000046  }
0xb2: {  	s29 =	simm.s32 $0x9;
	_ =	strace $0x80000048  }
0xb3: {  	_ =	swait.ge [sflag:s29], $0x1  }
0xb4: {  	[sflag:s29] =	ssyncadd.s32 $0xFFFFFFFF  }
0xb5: {  	_ =	strace $0x90000048  }
0xb6: {  	_ =	sfence  }
0xb7: {  	s30 =	sld [smem:$0x0];
	_ =	sdelay $0x2  }
0xb8: {  	s31 =	sshll.u32 s1, $0xD;
	s1 =	sshrl.u32 s1, $0x2  }
0xb9: {  	s3 =	sand.u32 $0x4000, s31;
	s1 =	sadd.s32 s1, s30  }
0xba: {  	s0 =	sor.u32 s3, s0;
	s1 =	sshll.u32 s1, $0x11  }
0xbb: {  	s0 =	sor.u32 s1, s0  }
0xbc: {  	s0 =	sadd.s32 $0x8F2B, s0  }
0xbd: {  	[sflag:s0] =	ssyncadd.remote.s32 $0x1  }
0xbe: {  	_ =	sfence.sel $0xFFFF  }
0xbf: {  	[dreg:$0x0] =	wrdreg $0xFFFFFFFF;
	(pc) =	sbr.abs _section_cstart, $3  }
0xc0: {  	[dreg:$0x1] =	wrdreg $0xFFFFFFFF  }
0xc1: {  	_ =	task.clear_ibuf [dreg:s6], $0x2FFFF;
	_ =	strace $0x9FFFFFFF  }
0xc2: {  	(tm) =	ssettm $0x7FFFFFFF  }
0xc3: {  	_ =	shalt  }
tec
execute0_lowered:
.L_overlay_start_1:
0x0: {  	(tag) =	ssettag $0x1  }
0x1: {  	s0 =	rddreg [dreg:$0x0]  }
0x2: {  	s1 =	rddreg [dreg:$0x1];
	s2 =	simm.s32 $0x0  }
0x3: {  	s23 =	stileid.u32;
	s5 =	srdreg.scid;
	s28 =	simm.s32 $0x80  }
0x4: {  	s29 =	simm.s32 $0x180;
	s30 =	simm.s32 $0x1;
	s31 =	simm.s32 $0x4A00  }
0x5: {  	[smem:$0x7FF] =	sst s2;
	s3 =	sadd.s32 $0x15600, s0;
	s4 =	sadd.s32 $0xB600, s0  }
0x6: {  	s6 =	smul.u32 $0x58740, s23;
	s20 =	sadd.s32 $0x1600, s0;
	s0 =	sadd.s32 $0x41600, s0  }
0x7: {  	s13 =	sand.u32 $0x1, s5;
	s21 =	sshll.u32 s23, $0x1;
	s15 =	smul.u32 $0x15F00, s23  }
0x8: {  	s17 =	smul.u32 $0xA0, s23;
	p0 =	sne.s32 s23, $0x0;
	s23 =	simm.s32 $0x100  }
0x9: {  	_ =	strace $0x80000047;
	s7 =	ssub.s32 $0x2, s13;
	s14 =	smul.u32 $0x15F900, s13  }
0xa: {  	s9 =	sor.u32 s13, s21;
	s19 =	smul.u32 $0x50, s13;
	s6 =	sshrl.u32 s6, $0x2  }
0xb: {  	s8 =	sshrl.u32 s7, $0x1;
	s12 =	smul.u32 $0x500, s9;
	s5 =	sadd.s32 s6, s1  }
0xc: {  	s22 =	ssub.s32 s7, s8;
	s18 =	sadd.s32 s15, s14;
	s7 =	sshrl.u32 s14, $0x3  }
0xd: {  	s19 =	sadd.s32 s19, s17;
	s24 =	sadd.s32 $0x4800, s5;
	s25 =	sadd.s32 $0x9000, s5  }
0xe: {  	s8 =	sadd.s32 $0xD800, s5;
	s9 =	sadd.s32 $0x12000, s5;
	s10 =	sadd.s32 s4, s12  }
0xf: {  	s11 =	sadd.s32 s20, s12;
	s16 =	sor.u32 $0x10, s12;
	[dreg:$0x3] =	wrdreg s24  }
0x10: {  	s26 =	sshrl.u32 s18, $0x3;
	s21 =	sshll.u32 s19, $0x4;
	[dreg:$0x4] =	wrdreg s25  }
0x11: {  	s12 =	sadd.s32 s4, s16;
	s13 =	sadd.s32 s20, s16;
	s14 =	sadd.s32 s0, s26  }
0x12: {  	s0 =	sadd.s32 s0, s7;
	s24 =	sadd.s32 s15, s1;
	s25 =	sadd.s32 $0x15F000, s1  }
0x13: {  	s16 =	smax.u32 s22, $0x1;
	s22 =	sadd.s32 s21, s4;
	s26 =	sadd.s32 s21, s20  }
0x14: {  	s15 =	sadd.s32 $0x2BE00, s0;
	s17 =	sadd.s32 $0x30, s22;
	s0 =	sor.u32 $0x20, s21  }
0x15: {  	s18 =	sadd.s32 $0x30, s26;
	s21 =	simm.s32 $0x200;
	s22 =	simm.s32 $0x3  }
0x16: {  	s24 =	sshrl.u32 s24, $0x3;
	s25 =	sshrl.u32 @!p0 s25, $0x3;
	s26 =	simm.s32 $0x2  }
0x17: {  	v0 =	vimm.f32 $0.0e+00;
	s19 =	sadd.s32 s0, s4;
	s20 =	sadd.s32 s0, s20;
	s0 =	simm.s32 $0x0  }
.LBB2_1:
0x18: {  	s4 =	simm.s32 $0x0;
	s6 =	simm.s32 $0x240  }
.LBB2_2:
0x19: {  	p1 =	sne.s32 s6, $0x11DC0;
	[tilespmem:s4+$0x280] =	vst v0  }
0x1a: {  	[tilespmem:s4+$0x200] =	vst v0  }
0x1b: {  	[tilespmem:s4+$0x210] =	vst v0  }
0x1c: {  	[tilespmem:s4+$0x220] =	vst v0  }
.Ltmp0:
0x1d: {  	[tilespmem:s4+$0x230] =	vst v0;
	(pc) =	sbr.rel @p1 .LBB2_2-.Ltmp0, $4  }
0x1e: {  	[tilespmem:s4+$0x240] =	vst v0  }
0x1f: {  	[tilespmem:s4+$0x250] =	vst v0  }
0x20: {  	[tilespmem:s4+$0x260] =	vst v0  }
0x21: {  	[tilespmem:s4+$0x270] =	vst v0;
	s4 =	sshra.s32 s6, $0x2;
	s6 =	sadd.s32 $0x240, s6  }
0x22: {  	[tilespmem:s4+$0x280] =	vst v0  }
0x23: {  	[tilespmem:s4+$0x200] =	vst v0  }
0x24: {  	[tilespmem:s4+$0x210] =	vst v0  }
0x25: {  	[tilespmem:s4+$0x220] =	vst v0  }
0x26: {  	[tilespmem:s4+$0x230] =	vst v0  }
0x27: {  	[tilespmem:s4+$0x240] =	vst v0  }
0x28: {  	[tilespmem:s4+$0x250] =	vst v0  }
0x29: {  	[tilespmem:s4+$0x260] =	vst v0  }
0x2a: {  	[tilespmem:s4+$0x270] =	vst v0  }
0x2b: {  	[spmem:s5] =	stream.linear.scatter [tilespmem:s21], [sflag:$0x3], $0x4800, $0x38;
	[tilespmem:$0x1F3D0] =	vst v63  }
0x2c: {  	_ =	swait.ge [sflag:s22], $0x4800  }
0x2d: {  	[sflag:s22] =	ssyncset.done $0x0  }
0x2e: {  	s6 =	rddreg [dreg:$0x3];
	[sflag:s22] =	ssyncadd.s32 $0xFFFFB800  }
0x2f: {  	[spmem:s6] =	stream.linear.scatter [tilespmem:s21], [sflag:$0x3], $0x4800, $0x38;
	[tilespmem:$0x1F3D0] =	vst v63  }
0x30: {  	_ =	swait.ge [sflag:s22], $0x4800  }
0x31: {  	[sflag:s22] =	ssyncset.done $0x0  }
0x32: {  	s7 =	rddreg [dreg:$0x4];
	[sflag:s22] =	ssyncadd.s32 $0xFFFFB800  }
0x33: {  	[spmem:s7] =	stream.linear.scatter [tilespmem:s21], [sflag:$0x3], $0x4800, $0x38;
	[tilespmem:$0x1F3D0] =	vst v63  }
0x34: {  	_ =	swait.ge [sflag:s22], $0x4800  }
0x35: {  	[sflag:s22] =	ssyncset.done $0x0  }
0x36: {  	[sflag:s22] =	ssyncadd.s32 $0xFFFFB800  }
0x37: {  	[spmem:s8] =	stream.linear.scatter [tilespmem:s21], [sflag:$0x3], $0x4800, $0x38;
	[tilespmem:$0x1F3D0] =	vst v63  }
0x38: {  	_ =	swait.ge [sflag:s22], $0x4800  }
0x39: {  	[sflag:s22] =	ssyncset.done $0x0  }
0x3a: {  	[sflag:s22] =	ssyncadd.s32 $0xFFFFB800  }
0x3b: {  	[spmem:s9] =	stream.linear.scatter [tilespmem:s21], [sflag:$0x3], $0x41D0, $0x38;
	[tilespmem:$0x1F3D0] =	vst v63  }
0x3c: {  	_ =	swait.ge [sflag:s22], $0x41D0  }
0x3d: {  	[sflag:s22] =	ssyncset.done $0x0  }
0x3e: {  	[sflag:s22] =	ssyncadd.s32 $0xFFFFBE30  }
0x3f: {  	s6 =	simm.s32 $0x0;
	[bflag:$0x0] =	sbarrier.arrive $0xFFFF  }
0x40: {  	[tilespmem:s6], [sflag:$0x2] =	stream.linear.gather [hbm4b:s10+s6], $0x80, $0x38;
	[tilespmem:$0x1F3D0] =	vst v63  }
0x41: {  	_ = 	snop  }
0x42: {  	[tilespmem:s23], [sflag:$0x2] =	stream.linear.gather [hbm4b:s11+s6], $0x80, $0x38;
	[tilespmem:$0x1F3D0] =	vst v63  }
0x43: {  	_ =	swait.ge [sflag:s26], $0x80  }
0x44: {  	[sflag:s26] =	ssyncset.done $0x0  }
0x45: {  	[sflag:s26] =	ssyncadd.s32 $0xFFFFFF80  }
0x46: {  	_ =	swait.ge [sflag:s26], $0x80  }
0x47: {  	[sflag:s26] =	ssyncset.done $0x0  }
0x48: {  	[sflag:s26] =	ssyncadd.s32 $0xFFFFFF80  }
0x49: {  	[tilespmem:s21], [sflag:$0x1] =	stream.indirect.gather [hbm4b:s3+s28], $0x90, s6, s28, $0xb8;
	[tilespmem:$0x1F3D0] =	vst v63  }
0x4a: {  	_ = 	snop  }
0x4b: {  	[tilespmem:s28], [sflag:$0x2] =	stream.linear.gather [hbm4b:s12+s6], $0x80, $0x38;
	[tilespmem:$0x1F3D0] =	vst v63  }
0x4c: {  	_ = 	snop  }
0x4d: {  	[tilespmem:s29], [sflag:$0x2] =	stream.linear.gather [hbm4b:s13+s6], $0x80, $0x38;
	[tilespmem:$0x1F3D0] =	vst v63  }
0x4e: {  	_ =	swait.ge [sflag:s30], $0x4800  }
0x4f: {  	[sflag:s30] =	ssyncset.done $0x0  }
0x50: {  	[sflag:s30] =	ssyncadd.s32 $0xFFFFB800  }
0x51: {  	_ =	swait.ge [sflag:s26], $0x80  }
0x52: {  	[sflag:s26] =	ssyncset.done $0x0  }
0x53: {  	[sflag:s26] =	ssyncadd.s32 $0xFFFFFF80  }
0x54: {  	_ =	swait.ge [sflag:s26], $0x80  }
0x55: {  	[sflag:s26] =	ssyncset.done $0x0  }
0x56: {  	[sflag:s26] =	ssyncadd.s32 $0xFFFFFF80  }
0x57: {  	[tilespmem:s31], [sflag:$0x1] =	stream.indirect.gather [hbm4b:s3+s28], $0x90, s28, s28, $0xb8;
	[tilespmem:$0x1F3D0] =	vst v63  }
0x58: {  	_ = 	snop  }
0x59: {  	[spmem:s1] =	stream.indirect.scatter.add.f32 [tilespmem:s21], [sflag:$0x3], $0x90, s23, s28, $0xb8;
	[tilespmem:$0x1F3D0] =	vst v63  }
0x5a: {  	_ =	swait.ge [sflag:s22], $0x4800  }
0x5b: {  	[sflag:s22] =	ssyncset.done $0x0  }
0x5c: {  	s7 =	sadd.s32 $0x0, s19;
	[sflag:s22] =	ssyncadd.s32 $0xFFFFB800  }
0x5d: {  	[tilespmem:s2], [sflag:$0x2] =	stream.linear.gather [hbm4b:s7+s2], $0x80, $0x38;
	[tilespmem:$0x1F3D0] =	vst v63  }
0x5e: {  	s6 =	sadd.s32 $0x0, s20  }
0x5f: {  	[tilespmem:s23], [sflag:$0x2] =	stream.linear.gather [hbm4b:s6+s2], $0x80, $0x38;
	[tilespmem:$0x1F3D0] =	vst v63  }
0x60: {  	_ =	swait.ge [sflag:s30], $0x4800  }
0x61: {  	[sflag:s30] =	ssyncset.done $0x0  }
0x62: {  	[sflag:s30] =	ssyncadd.s32 $0xFFFFB800  }
0x63: {  	_ =	swait.ge [sflag:s26], $0x80  }
0x64: {  	[sflag:s26] =	ssyncset.done $0x0  }
0x65: {  	[sflag:s26] =	ssyncadd.s32 $0xFFFFFF80  }
0x66: {  	_ =	swait.ge [sflag:s26], $0x80  }
0x67: {  	[sflag:s26] =	ssyncset.done $0x0  }
0x68: {  	[sflag:s26] =	ssyncadd.s32 $0xFFFFFF80  }
0x69: {  	[tilespmem:s21], [sflag:$0x1] =	stream.indirect.gather [hbm4b:s3+s28], $0x90, s2, s28, $0xb8;
	[tilespmem:$0x1F3D0] =	vst v63  }
0x6a: {  	_ = 	snop  }
0x6b: {  	[spmem:s1] =	stream.indirect.scatter.add.f32 [tilespmem:s31], [sflag:$0x3], $0x90, s29, s28, $0xb8;
	[tilespmem:$0x1F3D0] =	vst v63  }
0x6c: {  	_ =	swait.ge [sflag:s22], $0x4800  }
0x6d: {  	s4 =	simm.s32 $0x20;
	[sflag:s22] =	ssyncset.done $0x0  }
0x6e: {  	s7 =	sadd.s32 $0x0, s17;
	s6 =	sadd.s32 $0x0, s18;
	[sflag:s22] =	ssyncadd.s32 $0xFFFFB800  }
0x6f: {  	[tilespmem:s28], [sflag:$0x2] =	stream.linear.gather [hbm4b:s7+s2], $0x80, $0x38;
	[tilespmem:$0x1F3D0] =	vst v63  }
.LBB2_4:
0x70: {  	[tilespmem:s29], [sflag:$0x2] =	stream.linear.gather [hbm4b:s6+s2], $0x80, $0x38;
	[tilespmem:$0x1F3D0] =	vst v63  }
0x71: {  	s6 =	smov.u32 s4  }
0x72: {  	p1 =	sne.s32 s4, $0x4C0;
	s4 =	sadd.s32 $0x20, s4;
	_ =	swait.ge [sflag:s30], $0x4800  }
0x73: {  	[sflag:s30] =	ssyncset.done $0x0  }
0x74: {  	[sflag:s30] =	ssyncadd.s32 $0xFFFFB800  }
0x75: {  	_ =	swait.ge [sflag:s26], $0x80  }
0x76: {  	[sflag:s26] =	ssyncset.done $0x0  }
0x77: {  	[sflag:s26] =	ssyncadd.s32 $0xFFFFFF80  }
0x78: {  	_ =	swait.ge [sflag:s26], $0x80  }
0x79: {  	[sflag:s26] =	ssyncset.done $0x0  }
0x7a: {  	[sflag:s26] =	ssyncadd.s32 $0xFFFFFF80  }
0x7b: {  	[tilespmem:s31], [sflag:$0x1] =	stream.indirect.gather [hbm4b:s3+s28], $0x90, s28, s28, $0xb8;
	[tilespmem:$0x1F3D0] =	vst v63  }
0x7c: {  	_ = 	snop  }
0x7d: {  	[spmem:s1] =	stream.indirect.scatter.add.f32 [tilespmem:s21], [sflag:$0x3], $0x90, s23, s28, $0xb8;
	[tilespmem:$0x1F3D0] =	vst v63  }
0x7e: {  	_ =	swait.ge [sflag:s22], $0x4800  }
0x7f: {  	[sflag:s22] =	ssyncset.done $0x0  }
0x80: {  	s7 =	sadd.s32 s6, s19;
	[sflag:s22] =	ssyncadd.s32 $0xFFFFB800  }
0x81: {  	[tilespmem:s2], [sflag:$0x2] =	stream.linear.gather [hbm4b:s7+s2], $0x80, $0x38;
	[tilespmem:$0x1F3D0] =	vst v63  }
0x82: {  	s7 =	sadd.s32 s6, s20  }
0x83: {  	[tilespmem:s23], [sflag:$0x2] =	stream.linear.gather [hbm4b:s7+s2], $0x80, $0x38;
	[tilespmem:$0x1F3D0] =	vst v63  }
0x84: {  	_ =	swait.ge [sflag:s30], $0x4800  }
0x85: {  	[sflag:s30] =	ssyncset.done $0x0  }
0x86: {  	[sflag:s30] =	ssyncadd.s32 $0xFFFFB800  }
0x87: {  	_ =	swait.ge [sflag:s26], $0x80  }
0x88: {  	[sflag:s26] =	ssyncset.done $0x0  }
0x89: {  	[sflag:s26] =	ssyncadd.s32 $0xFFFFFF80  }
0x8a: {  	_ =	swait.ge [sflag:s26], $0x80  }
0x8b: {  	[sflag:s26] =	ssyncset.done $0x0  }
0x8c: {  	[sflag:s26] =	ssyncadd.s32 $0xFFFFFF80  }
0x8d: {  	[tilespmem:s21], [sflag:$0x1] =	stream.indirect.gather [hbm4b:s3+s28], $0x90, s2, s28, $0xb8;
	[tilespmem:$0x1F3D0] =	vst v63  }
0x8e: {  	_ = 	snop  }
0x8f: {  	[spmem:s1] =	stream.indirect.scatter.add.f32 [tilespmem:s31], [sflag:$0x3], $0x90, s29, s28, $0xb8;
	[tilespmem:$0x1F3D0] =	vst v63  }
.Ltmp1:
0x90: {  	_ =	swait.ge [sflag:s22], $0x4800;
	(pc) =	sbr.rel @p1 .LBB2_4-.Ltmp1, $4  }
0x91: {  	[sflag:s22] =	ssyncset.done $0x0  }
0x92: {  	s7 =	sadd.s32 s6, s17;
	[sflag:s22] =	ssyncadd.s32 $0xFFFFB800  }
0x93: {  	[tilespmem:s28], [sflag:$0x2] =	stream.linear.gather [hbm4b:s7+s2], $0x80, $0x38;
	[tilespmem:$0x1F3D0] =	vst v63  }
0x94: {  	s6 =	sadd.s32 s6, s18  }
0x95: {  	[tilespmem:s29], [sflag:$0x2] =	stream.linear.gather [hbm4b:s6+s2], $0x80, $0x38;
	[tilespmem:$0x1F3D0] =	vst v63  }
0x96: {  	_ =	swait.ge [sflag:s30], $0x4800  }
0x97: {  	[sflag:s30] =	ssyncset.done $0x0  }
0x98: {  	[sflag:s30] =	ssyncadd.s32 $0xFFFFB800  }
0x99: {  	_ =	swait.ge [sflag:s26], $0x80  }
0x9a: {  	[sflag:s26] =	ssyncset.done $0x0  }
0x9b: {  	[sflag:s26] =	ssyncadd.s32 $0xFFFFFF80  }
0x9c: {  	_ =	swait.ge [sflag:s26], $0x80  }
0x9d: {  	[sflag:s26] =	ssyncset.done $0x0  }
0x9e: {  	[sflag:s26] =	ssyncadd.s32 $0xFFFFFF80  }
0x9f: {  	[tilespmem:s31], [sflag:$0x1] =	stream.indirect.gather [hbm4b:s3+s28], $0x90, s28, s28, $0xb8;
	[tilespmem:$0x1F3D0] =	vst v63  }
0xa0: {  	_ = 	snop  }
0xa1: {  	[spmem:s1] =	stream.indirect.scatter.add.f32 [tilespmem:s21], [sflag:$0x3], $0x90, s23, s28, $0xb8;
	[tilespmem:$0x1F3D0] =	vst v63  }
0xa2: {  	_ =	swait.ge [sflag:s22], $0x4800  }
0xa3: {  	[sflag:s22] =	ssyncset.done $0x0  }
0xa4: {  	[sflag:s22] =	ssyncadd.s32 $0xFFFFB800  }
0xa5: {  	_ =	swait.ge [sflag:s30], $0x4800  }
0xa6: {  	[sflag:s30] =	ssyncset.done $0x0  }
0xa7: {  	[sflag:s30] =	ssyncadd.s32 $0xFFFFB800  }
0xa8: {  	[spmem:s1] =	stream.indirect.scatter.add.f32 [tilespmem:s31], [sflag:$0x3], $0x90, s29, s28, $0xb8;
	[tilespmem:$0x1F3D0] =	vst v63  }
0xa9: {  	_ =	swait.ge [sflag:s22], $0x4800  }
0xaa: {  	s4 =	stileid.u32;
	[sflag:s22] =	ssyncset.done $0x0  }
0xab: {  	s4 =	sshll.u32 s4, $0x6;
	[sflag:s22] =	ssyncadd.s32 $0xFFFFB800  }
0xac: {  	s4 =	sor.u32 $0x1C03, s4;
	[bflag:$0x0] =	sbarrier.arrive $0xFFFF  }
0xad: {  	[hbm:s14], [sflag:s4] =	dma.local [spmem:s24], $0x2BE0  }
0xae: {  	_ =	swait.ge [sflag:s22], $0x2BE0  }
0xaf: {  	s0 =	sadd.s32 $0x1, s0;
	[sflag:s22] =	ssyncset.done $0x0  }
0xb0: {  	p1 =	sne.s32 s0, s16;
	[sflag:s22] =	ssyncadd.s32 $0xFFFFD420  }
0xb1: {  	[hbm:s15], [sflag:s4] =	dma.local @!p0 [spmem:s25], $0x120  }
.Ltmp2:
0xb2: {  	_ = 	snop;
	(pc) =	sbr.rel @p1 .LBB2_1-.Ltmp2, $4  }
0xb3: {  	s4 =	simm.s32 @!p0 $0x3  }
0xb4: {  	_ =	swait.ge @!p0 [sflag:s4], $0x120  }
0xb5: {  	[sflag:s4] =	ssyncset.done @!p0 $0x0  }
0xb6: {  	[sflag:s4] =	ssyncadd.s32 @!p0 $0xFFFFFEE0  }
0xb7: {  	_ =	sfence.sel $0x180000  }
0xb8: {  	[bflag:$0x0] =	sbarrier.arrive $0xFFFF  }
0xb9: {  	_ =	strace $0x90000047  }
0xba: {  	[bflag:$0x2] =	sbarrier.arrive $0xFFFF  }
0xbb: {  	s0 =	rddreg [dreg:$0x2]  }
0xbc: {  	s0 =	sadd.s32 @!p0 $0x100000, s0  }
0xbd: {  	[sflag:s0] =	ssyncadd.tile.s32 @!p0 $0x1;
	_ =	shalt  }
.Lfunc_end2:
_tile_overlayer_lowered:
.L_overlay_start_2:
0xbe: {  	(tag) =	ssettag $0x2  }
0xbf: {  	s0 =	rddreg [dreg:$0x0];
	s2 =	stileid.u32  }
0xc0: {  	s1 =	rddreg [dreg:$0x1];
	p0 =	sne.s32 s2, $0x0  }
0xc1: {  	s3 =	rddreg [dreg:$0x2];
	[bflag:$0x3] =	sbarrier.arrive $0xFFFF;
	s2 =	simm.s32 @!p0 $0x1C03  }
0xc2: {  	[timem:s3], [sflag:s2] =	dma.local @!p0 [hbm:s0], s1  }
0xc3: {  	s0 =	simm.s32 @!p0 $0x3  }
0xc4: {  	_ =	swait.ge @!p0 [sflag:s0], s1  }
0xc5: {  	s1 =	ssub.s32 @!p0 $0x0, s1;
	[sflag:s0] =	ssyncset.done @!p0 $0x0  }
0xc6: {  	[sflag:s0] =	ssyncadd.s32 @!p0 s1  }
0xc7: {  	[bflag:$0x3] =	sbarrier.arrive $0xFFFF  }
0xc8: {  	_ =	shalt  }

// kernel: kernel.9.cloned.1.call-start
scs
__scs_entry_jumppad:
0x0: {  	(pc) =	sbr.rel $0x88, $3  }
0x1: {  	(tag) =	ssettag $0x0;
	lr =	simm.s32 $0x1  }
0x2: {  	[smem:$0x3F99] =	sst lr;
	_ =	strace $0xD0000000  }
0x3: {  	_ = 	snop  }
0x4: {  	_ = 	snop  }
0x5: {  	_ = 	snop  }
0x6: {  	_ = 	snop  }
0x7: {  	_ = 	snop  }
__scs_overlays_trampoline_lowered:
0x8: {  	[smem:$0x3FA8] =	sst s0  }
0x9: {  	[smem:$0x3FA9] =	sst s1  }
0xa: {  	[smem:$0x3FAA] =	sst s2  }
0xb: {  	[smem:$0x3FAB] =	sst s3  }
0xc: {  	[smem:$0x3FAC] =	sst s4  }
0xd: {  	[smem:$0x3FAD] =	sst s5  }
0xe: {  	[smem:$0x3FAE] =	sst s6  }
0xf: {  	[smem:$0x3FAF] =	sst s7  }
0x10: {  	[smem:$0x3FB0] =	sst s8  }
0x11: {  	[smem:$0x3FB1] =	sst s9;
	s0 =	simm.s32 @!p0 $0x0  }
0x12: {  	s1 =	sld [smem:$0x3F97];
	s0 =	simm.s32 @p0 $0x1  }
0x13: {  	[smem:$0x3FB2] =	sst s0;
	s0 =	simm.s32 @!p1 $0x0  }
0x14: {  	s2 =	sld [smem:$0x3F96];
	s0 =	simm.s32 @p1 $0x1  }
0x15: {  	[smem:$0x3FB3] =	sst s0;
	s0 =	simm.s32 @!p2 $0x0  }
0x16: {  	s3 =	sld [smem:$0x3FDB];
	s0 =	simm.s32 @p2 $0x1  }
0x17: {  	s4 =	simm.s32 $0x1BF5;
	[smem:$0x3FB5] =	sst s0  }
0x18: {  	s0 =	sld [smem:$0x3F98];
	_ =	swait.ge [sflag:s4], $0x0  }
0x19: {  	s7 =	sld [smem:$0x3F99]  }
0x1a: {  	s8 =	sadd.s32 $0xFFFFE003, lr  }
0x1b: {  	s9 =	sadd.s32 $0xFFFFFEF7, lr;
	s5 =	simm.s32 $0xFFFFFFFF;
	p2 =	slt.u32 s8, $0xFFFFF086  }
0x1c: {  	p1 =	slt.u32 s9, $0xF7A;
	s5 =	simm.s32 @!p2 $0x0  }
0x1d: {  	s5 =	simm.s32 @p1 $0x1;
	p0 =	seq.s32 s7, s2  }
0x1e: {  	s7 =	smul.u32 @!p0 $0xF7A, s2;
	p2 =	seq.s32 @!p0 s5, $0x0  }
0x1f: {  	s9 =	smul.u32 $0xF7A, s1;
	s8 =	simm.s32 @!p0 $0x1BF5;
	p2 =	por !p2, p0  }
0x20: {  	[sflag:s8] =	ssyncset.s32 @!p0 $0xFFFFF086;
	s6 =	sadd.s32 @!p0 s3, s7;
	s7 =	simm.s32 @!p0 $0x108  }
0x21: {  	s3 =	sadd.s32 s3, s9;
	s6 =	sadd.s32 @!p0 $0x88, s6;
	s7 =	simm.s32 @p2 $0x1082  }
0x22: {  	[simem:s7], [sflag:s8] =	dma.local @!p0 [hbm:s6], $0xF7A  }
0x23: {  	s9 =	sor.u32 $0xD0000000, s2;
	s6 =	simm.s32 $0x108;
	_ =	swait.ge @!p0 [sflag:s8], $0x0  }
0x24: {  	s3 =	sadd.s32 $0x88, s3;
	s6 =	simm.s32 @!p1 $0x1082;
	[sflag:s4] =	ssyncset.s32 $0xFFFFF086  }
0x25: {  	[simem:s6], [sflag:s4] =	dma.local [hbm:s3], $0xF7A  }
0x26: {  	[smem:$0x3F99] =	sst s1;
	(tag) =	ssettag s2;
	_ =	strace s9  }
0x27: {  	s1 =	sld [smem:$0x3FA9]  }
0x28: {  	s2 =	sld [smem:$0x3FAA]  }
0x29: {  	s4 =	sld [smem:$0x3FAC]  }
0x2a: {  	p0 =	seq.s32 s5, $0x0;
	s5 =	sld [smem:$0x3FAD]  }
0x2b: {  	s6 =	sld [smem:$0x3FAE]  }
0x2c: {  	s7 =	sld [smem:$0x3FAF]  }
0x2d: {  	s3 =	simm.s32 $0x108;
	s8 =	sld [smem:$0x3FB0]  }
0x2e: {  	s3 =	simm.s32 @!p0 $0x1082;
	s9 =	sld [smem:$0x3FB1]  }
0x2f: {  	lr =	sadd.s32 s0, s3;
	s0 =	sld [smem:$0x3FA8]  }
0x30: {  	s3 =	sld [smem:$0x3FAB]  }
0x31: {  	[smem:$0x3FB4] =	sst s10  }
0x32: {  	s10 =	sld [smem:$0x3FB2];
	_ =	sdelay $0x3  }
0x33: {  	p0 =	seq.s32 s10, $0x1;
	s10 =	sld [smem:$0x3FB4];
	_ =	sdelay $0x3  }
0x34: {  	[smem:$0x3FB4] =	sst s10  }
0x35: {  	s10 =	sld [smem:$0x3FB3];
	_ =	sdelay $0x3  }
0x36: {  	p1 =	seq.s32 s10, $0x1;
	s10 =	sld [smem:$0x3FB4];
	_ =	sdelay $0x3  }
0x37: {  	[smem:$0x3FB4] =	sst s10  }
0x38: {  	s10 =	sld [smem:$0x3FB5]  }
0x39: {  	_ = 	snop;
	(pc) =	sbr.ind lr, $3  }
0x3a: {  	_ = 	snop  }
0x3b: {  	_ = 	snop  }
0x3c: {  	p2 =	seq.s32 s10, $0x1;
	s10 =	sld [smem:$0x3FB4]  }
0x3d: {  	_ =	shalt  }
0x3e: {  	_ =	shalt  }
0x3f: {  	_ =	shalt  }
0x40: {  	_ =	shalt  }
0x41: {  	_ =	shalt  }
0x42: {  	_ =	shalt  }
0x43: {  	_ =	shalt  }
0x44: {  	_ =	shalt  }
0x45: {  	_ =	shalt  }
0x46: {  	_ =	shalt  }
0x47: {  	_ =	shalt  }
0x48: {  	_ =	shalt  }
0x49: {  	_ =	shalt  }
0x4a: {  	_ =	shalt  }
0x4b: {  	_ =	shalt  }
0x4c: {  	_ =	shalt  }
0x4d: {  	_ =	shalt  }
0x4e: {  	_ =	shalt  }
0x4f: {  	_ =	shalt  }
0x50: {  	_ =	shalt  }
0x51: {  	_ =	shalt  }
0x52: {  	_ =	shalt  }
0x53: {  	_ =	shalt  }
0x54: {  	_ =	shalt  }
0x55: {  	_ =	shalt  }
0x56: {  	_ =	shalt  }
0x57: {  	_ =	shalt  }
0x58: {  	_ =	shalt  }
0x59: {  	_ =	shalt  }
0x5a: {  	_ =	shalt  }
0x5b: {  	_ =	shalt  }
0x5c: {  	_ =	shalt  }
0x5d: {  	_ =	shalt  }
0x5e: {  	_ =	shalt  }
0x5f: {  	_ =	shalt  }
0x60: {  	_ =	shalt  }
0x61: {  	_ =	shalt  }
0x62: {  	_ =	shalt  }
0x63: {  	_ =	shalt  }
0x64: {  	_ =	shalt  }
0x65: {  	_ =	shalt  }
0x66: {  	_ =	shalt  }
0x67: {  	_ =	shalt  }
0x68: {  	_ =	shalt  }
0x69: {  	_ =	shalt  }
0x6a: {  	_ =	shalt  }
0x6b: {  	_ =	shalt  }
0x6c: {  	_ =	shalt  }
0x6d: {  	_ =	shalt  }
0x6e: {  	_ =	shalt  }
0x6f: {  	_ =	shalt  }
0x70: {  	_ =	shalt  }
0x71: {  	_ =	shalt  }
0x72: {  	_ =	shalt  }
0x73: {  	_ =	shalt  }
0x74: {  	_ =	shalt  }
0x75: {  	_ =	shalt  }
0x76: {  	_ =	shalt  }
0x77: {  	_ =	shalt  }
0x78: {  	_ =	shalt  }
0x79: {  	_ =	shalt  }
0x7a: {  	_ =	shalt  }
0x7b: {  	_ =	shalt  }
0x7c: {  	_ =	shalt  }
0x7d: {  	_ =	shalt  }
0x7e: {  	_ =	shalt  }
0x7f: {  	_ =	shalt  }
0x80: {  	_ =	shalt  }
0x81: {  	_ =	shalt  }
0x82: {  	_ =	shalt  }
0x83: {  	_ =	shalt  }
0x84: {  	_ =	shalt  }
0x85: {  	_ =	shalt  }
0x86: {  	_ =	shalt  }
0x87: {  	_ =	shalt  }
.Lfunc_end0:
.L_simem_size_0:
called_computation.1_lowered:
.L_overlay_start_0:
0x88: {  	s2 =	sld [smem:$0x3FD9]  }
0x89: {  	s3 =	sld [smem:$0x3FFE];
	_ =	sdelay $0x1  }
0x8a: {  	s1 =	srdreg.scid  }
0x8b: {  	s0 =	sand.u32 $0x1, s1  }
0x8c: {  	s17 =	sshll.u32 s0, $0xA;
	s2 =	sadd.s32 s3, s2  }
0x8d: {  	s2 =	sadd.s32 s2, s17  }
0x8e: {  	[smem:$0x3FC0] =	sst s2  }
0x8f: {  	_ = 	snop  }
0x90: {  	s2 =	sld [smem:$0x3FD0];
	(tm) =	ssettm $0x1  }
0x91: {  	s18 =	sld [smem:$0x3FFB];
	_ =	sdelay $0x3  }
0x92: {  	_ =	strace s18  }
0x93: {  	s3 =	sld [smem:$0x3FFC];
	_ =	sdelay $0x3  }
0x94: {  	_ =	strace s3  }
0x95: {  	s3 =	sld [smem:$0x3FFD];
	_ =	sdelay $0x3  }
0x96: {  	_ =	strace s3  }
0x97: {  	_ =	strace $0x8FFFFFFF  }
0x98: {  	s19 =	sld [smem:$0x3FDB];
	_ =	sdelay $0x1  }
0x99: {  	s4 =	simm.s32 $_scs_section_size  }
0x9a: {  	s5 =	simm.s32 $_size__tile_overlayer_lowered;
	s6 =	simm.s32 $_tile_overlayer_lowered  }
0x9b: {  	s22 =	simm.s32 $0x1BFF;
	s21 =	sshll.u32 s6, $0x1;
	s3 =	sadd.s32 s4, s19  }
0x9c: {  	s7 =	simm.s32 $0x0;
	s20 =	sshll.u32 s5, $0x1;
	s5 =	sadd.s32 s21, s3  }
0x9d: {  	[timem:s7], [sflag:s22] =	dma.local [hbm:s5], s20  }
0x9e: {  	_ =	swait.ge [sflag:s22], s20  }
0x9f: {  	s4 =	ssub.s32 $0x0, s20;
	[sflag:s22] =	ssyncset.done $0x0  }
0xa0: {  	[sflag:s22] =	ssyncadd.s32 s4;
	_ =	sdelay $0x1  }
0xa1: {  	s23 =	simm.s32 $0x1B8B  }
0xa2: {  	_ =	swait.ge [sflag:s23], $0x1  }
0xa3: {  	[sflag:s23] =	ssyncset.done $0x0  }
0xa4: {  	s25 =	simm.s32 $0x1B8E;
	s24 =	sld [smem:$0x3FFE];
	[sflag:s23] =	ssyncadd.s32 $0xFFFFFFFF  }
0xa5: {  	s26 =	simm.s32 $execute0_lowered;
	[smem:$0x3FD2] =	sst s25  }
0xa6: {  	s5 =	sshll.u32 s26, $0x1;
	_ =	strace $0x80000049;
	[dreg:$0x1] =	wrdreg $0xFFFFFFFF  }
0xa7: {  	s28 =	simm.s32 $_size_execute0_lowered;
	s3 =	sadd.s32 s3, s5;
	[dreg:$0x0] =	wrdreg $0x0  }
0xa8: {  	s5 =	sshll.u32 s28, $0x1;
	[dreg:$0x2] =	wrdreg s3  }
0xa9: {  	[dreg:$0x3] =	wrdreg s5  }
0xaa: {  	[dreg:$0x4] =	wrdreg $0xC0  }
0xab: {  	_ =	task [dreg:s7], $0x5FFFF  }
0xac: {  	[dreg:$0x1] =	wrdreg $0xFFFFFFFF  }
0xad: {  	[dreg:$0x0] =	wrdreg $0x60  }
0xae: {  	[dreg:$0x2] =	wrdreg s2  }
0xaf: {  	[dreg:$0x3] =	wrdreg s24  }
0xb0: {  	[dreg:$0x4] =	wrdreg $0x42000  }
0xb1: {  	[dreg:$0x5] =	wrdreg $0x9  }
0xb2: {  	_ =	task.clear_ibuf [dreg:s7], $0x6FFFF;
	_ =	strace $0x90000049  }
0xb3: {  	s29 =	simm.s32 $0x9;
	_ =	strace $0x8000004B  }
0xb4: {  	_ =	swait.ge [sflag:s29], $0x1  }
0xb5: {  	[sflag:s29] =	ssyncadd.s32 $0xFFFFFFFF  }
0xb6: {  	_ =	strace $0x9000004B  }
0xb7: {  	_ =	sfence  }
0xb8: {  	s30 =	sld [smem:$0x0];
	_ =	sdelay $0x2  }
0xb9: {  	s31 =	sshll.u32 s1, $0xD;
	s1 =	sshrl.u32 s1, $0x2  }
0xba: {  	s3 =	sand.u32 $0x4000, s31;
	s1 =	sadd.s32 s1, s30  }
0xbb: {  	s0 =	sor.u32 s3, s0;
	s1 =	sshll.u32 s1, $0x11  }
0xbc: {  	s0 =	sor.u32 s1, s0  }
0xbd: {  	s0 =	sadd.s32 $0x8F2B, s0  }
0xbe: {  	[sflag:s0] =	ssyncadd.remote.s32 $0x1  }
0xbf: {  	_ =	sfence.sel $0xFFFF  }
0xc0: {  	[dreg:$0x0] =	wrdreg $0xFFFFFFFF;
	(pc) =	sbr.abs _section_cstart, $3  }
0xc1: {  	[dreg:$0x1] =	wrdreg $0xFFFFFFFF  }
0xc2: {  	_ =	task.clear_ibuf [dreg:s7], $0x2FFFF;
	_ =	strace $0x9FFFFFFF  }
0xc3: {  	(tm) =	ssettm $0x7FFFFFFF  }
tec
execute0_lowered:
.L_overlay_start_1:
0x0: {  	(tag) =	ssettag $0x1  }
0x1: {  	s1 =	rddreg [dreg:$0x0]  }
0x2: {  	s0 =	rddreg [dreg:$0x1]  }
0x3: {  	s2 =	rddreg [dreg:$0x2]  }
0x4: {  	s3 =	simm.s32 $0x0;
	s23 =	stileid.u32;
	s5 =	srdreg.scid  }
0x5: {  	s28 =	simm.s32 $0x80;
	s29 =	simm.s32 $0x180;
	s30 =	simm.s32 $0x1  }
0x6: {  	s31 =	simm.s32 $0x2200;
	[smem:$0x7FF] =	sst s3;
	s4 =	sadd.s32 $0xB600, s0  }
0x7: {  	s6 =	smul.u32 $0x27500, s23;
	s20 =	sadd.s32 $0x1600, s0;
	s0 =	sadd.s32 $0x15600, s0  }
0x8: {  	s13 =	sand.u32 $0x1, s5;
	s21 =	sshll.u32 s23, $0x1;
	s15 =	smul.u32 $0x9C00, s23  }
0x9: {  	s17 =	smul.u32 $0xA0, s23;
	p0 =	sne.s32 s23, $0x0;
	s23 =	simm.s32 $0x100  }
0xa: {  	_ =	strace $0x8000004A;
	s7 =	ssub.s32 $0x2, s13;
	s14 =	smul.u32 $0x9C400, s13  }
0xb: {  	s9 =	sor.u32 s13, s21;
	s19 =	smul.u32 $0x50, s13;
	s6 =	sshrl.u32 s6, $0x2  }
0xc: {  	s8 =	sshrl.u32 s7, $0x1;
	s12 =	smul.u32 $0x500, s9;
	s5 =	sadd.s32 s6, s2  }
0xd: {  	s22 =	ssub.s32 s7, s8;
	s18 =	sadd.s32 s15, s14;
	s7 =	sshrl.u32 s14, $0x3  }
0xe: {  	s19 =	sadd.s32 s19, s17;
	s24 =	sadd.s32 $0x2000, s5;
	s25 =	sadd.s32 $0x4000, s5  }
0xf: {  	s8 =	sadd.s32 $0x6000, s5;
	s9 =	sadd.s32 $0x8000, s5;
	s10 =	sadd.s32 s4, s12  }
0x10: {  	s11 =	sadd.s32 s20, s12;
	s16 =	sor.u32 $0x10, s12;
	[dreg:$0x4] =	wrdreg s24  }
0x11: {  	s26 =	sshrl.u32 s18, $0x3;
	s21 =	sshll.u32 s19, $0x4;
	[dreg:$0x5] =	wrdreg s25  }
0x12: {  	s12 =	sadd.s32 s4, s16;
	s13 =	sadd.s32 s20, s16;
	s14 =	sadd.s32 s0, s26  }
0x13: {  	s0 =	sadd.s32 s0, s7;
	s24 =	sadd.s32 s15, s2;
	s25 =	sadd.s32 $0x9C000, s2  }
0x14: {  	s16 =	smax.u32 s22, $0x1;
	s22 =	sadd.s32 s21, s4;
	s26 =	sadd.s32 s21, s20  }
0x15: {  	s15 =	sadd.s32 $0x13800, s0;
	s17 =	sadd.s32 $0x30, s22;
	s0 =	sor.u32 $0x20, s21  }
0x16: {  	s18 =	sadd.s32 $0x30, s26;
	s21 =	simm.s32 $0x200;
	s22 =	simm.s32 $0x3  }
0x17: {  	s24 =	sshrl.u32 s24, $0x3;
	s25 =	sshrl.u32 @!p0 s25, $0x3;
	s26 =	simm.s32 $0x2  }
0x18: {  	v0 =	vimm.f32 $0.0e+00;
	s19 =	sadd.s32 s0, s4;
	s20 =	sadd.s32 s0, s20;
	s0 =	simm.s32 $0x0  }
.LBB2_1:
0x19: {  	s6 =	simm.s32 $0x100;
	s4 =	simm.s32 $0x0  }
.LBB2_2:
0x1a: {  	p1 =	sne.s32 s6, $0x7F00;
	[tilespmem:s4+$0x230] =	vst v0;
	s7 =	smov.u32 s6;
	s6 =	sadd.s32 $0x100, s6  }
.Ltmp0:
0x1b: {  	[tilespmem:s4+$0x220] =	vst v0;
	(pc) =	sbr.rel @p1 .LBB2_2-.Ltmp0, $3  }
0x1c: {  	[tilespmem:s4+$0x200] =	vst v0  }
0x1d: {  	[tilespmem:s4+$0x210] =	vst v0;
	_ =	sdelay $0x1  }
0x1e: {  	s4 =	sshra.s32 s7, $0x2  }
0x1f: {  	[tilespmem:s4+$0x230] =	vst v0  }
0x20: {  	[tilespmem:s4+$0x220] =	vst v0  }
0x21: {  	[tilespmem:s4+$0x200] =	vst v0  }
0x22: {  	[tilespmem:s4+$0x210] =	vst v0  }
0x23: {  	[spmem:s5] =	stream.linear.scatter [tilespmem:s21], [sflag:$0x3], $0x2000, $0x38;
	[tilespmem:$0xDF40] =	vst v63  }
0x24: {  	_ =	swait.ge [sflag:s22], $0x2000  }
0x25: {  	[sflag:s22] =	ssyncset.done $0x0  }
0x26: {  	s6 =	rddreg [dreg:$0x4];
	[sflag:s22] =	ssyncadd.s32 $0xFFFFE000  }
0x27: {  	[spmem:s6] =	stream.linear.scatter [tilespmem:s21], [sflag:$0x3], $0x2000, $0x38;
	[tilespmem:$0xDF40] =	vst v63  }
0x28: {  	_ =	swait.ge [sflag:s22], $0x2000  }
0x29: {  	[sflag:s22] =	ssyncset.done $0x0  }
0x2a: {  	s7 =	rddreg [dreg:$0x5];
	[sflag:s22] =	ssyncadd.s32 $0xFFFFE000  }
0x2b: {  	[spmem:s7] =	stream.linear.scatter [tilespmem:s21], [sflag:$0x3], $0x2000, $0x38;
	[tilespmem:$0xDF40] =	vst v63  }
0x2c: {  	_ =	swait.ge [sflag:s22], $0x2000  }
0x2d: {  	[sflag:s22] =	ssyncset.done $0x0  }
0x2e: {  	[sflag:s22] =	ssyncadd.s32 $0xFFFFE000  }
0x2f: {  	[spmem:s8] =	stream.linear.scatter [tilespmem:s21], [sflag:$0x3], $0x2000, $0x38;
	[tilespmem:$0xDF40] =	vst v63  }
0x30: {  	_ =	swait.ge [sflag:s22], $0x2000  }
0x31: {  	[sflag:s22] =	ssyncset.done $0x0  }
0x32: {  	[sflag:s22] =	ssyncadd.s32 $0xFFFFE000  }
0x33: {  	[spmem:s9] =	stream.linear.scatter [tilespmem:s21], [sflag:$0x3], $0x1D40, $0x38;
	[tilespmem:$0xDF40] =	vst v63  }
0x34: {  	_ =	swait.ge [sflag:s22], $0x1D40  }
0x35: {  	[sflag:s22] =	ssyncset.done $0x0  }
0x36: {  	[sflag:s22] =	ssyncadd.s32 $0xFFFFE2C0  }
0x37: {  	s6 =	simm.s32 $0x0;
	[bflag:$0x0] =	sbarrier.arrive $0xFFFF  }
0x38: {  	[tilespmem:s6], [sflag:$0x2] =	stream.linear.gather [hbm4b:s10+s6], $0x80, $0x38;
	[tilespmem:$0xDF40] =	vst v63  }
0x39: {  	_ = 	snop  }
0x3a: {  	[tilespmem:s23], [sflag:$0x2] =	stream.linear.gather [hbm4b:s11+s6], $0x80, $0x38;
	[tilespmem:$0xDF40] =	vst v63  }
0x3b: {  	_ =	swait.ge [sflag:s26], $0x80  }
0x3c: {  	[sflag:s26] =	ssyncset.done $0x0  }
0x3d: {  	[sflag:s26] =	ssyncadd.s32 $0xFFFFFF80  }
0x3e: {  	_ =	swait.ge [sflag:s26], $0x80  }
0x3f: {  	[sflag:s26] =	ssyncset.done $0x0  }
0x40: {  	[sflag:s26] =	ssyncadd.s32 $0xFFFFFF80  }
0x41: {  	[tilespmem:s21], [sflag:$0x1] =	stream.indirect.gather [hbm4b:s1+s28], $0x40, s6, s28, $0xb8;
	[tilespmem:$0xDF40] =	vst v63  }
0x42: {  	_ = 	snop  }
0x43: {  	[tilespmem:s28], [sflag:$0x2] =	stream.linear.gather [hbm4b:s12+s6], $0x80, $0x38;
	[tilespmem:$0xDF40] =	vst v63  }
0x44: {  	_ = 	snop  }
0x45: {  	[tilespmem:s29], [sflag:$0x2] =	stream.linear.gather [hbm4b:s13+s6], $0x80, $0x38;
	[tilespmem:$0xDF40] =	vst v63  }
0x46: {  	_ =	swait.ge [sflag:s30], $0x2000  }
0x47: {  	[sflag:s30] =	ssyncset.done $0x0  }
0x48: {  	[sflag:s30] =	ssyncadd.s32 $0xFFFFE000  }
0x49: {  	_ =	swait.ge [sflag:s26], $0x80  }
0x4a: {  	[sflag:s26] =	ssyncset.done $0x0  }
0x4b: {  	[sflag:s26] =	ssyncadd.s32 $0xFFFFFF80  }
0x4c: {  	_ =	swait.ge [sflag:s26], $0x80  }
0x4d: {  	[sflag:s26] =	ssyncset.done $0x0  }
0x4e: {  	[sflag:s26] =	ssyncadd.s32 $0xFFFFFF80  }
0x4f: {  	[tilespmem:s31], [sflag:$0x1] =	stream.indirect.gather [hbm4b:s1+s28], $0x40, s28, s28, $0xb8;
	[tilespmem:$0xDF40] =	vst v63  }
0x50: {  	_ = 	snop  }
0x51: {  	[spmem:s2] =	stream.indirect.scatter.add.f32 [tilespmem:s21], [sflag:$0x3], $0x40, s23, s28, $0xb8;
	[tilespmem:$0xDF40] =	vst v63  }
0x52: {  	_ =	swait.ge [sflag:s22], $0x2000  }
0x53: {  	[sflag:s22] =	ssyncset.done $0x0  }
0x54: {  	s7 =	sadd.s32 $0x0, s19;
	[sflag:s22] =	ssyncadd.s32 $0xFFFFE000  }
0x55: {  	[tilespmem:s3], [sflag:$0x2] =	stream.linear.gather [hbm4b:s7+s3], $0x80, $0x38;
	[tilespmem:$0xDF40] =	vst v63  }
0x56: {  	s6 =	sadd.s32 $0x0, s20  }
0x57: {  	[tilespmem:s23], [sflag:$0x2] =	stream.linear.gather [hbm4b:s6+s3], $0x80, $0x38;
	[tilespmem:$0xDF40] =	vst v63  }
0x58: {  	_ =	swait.ge [sflag:s30], $0x2000  }
0x59: {  	[sflag:s30] =	ssyncset.done $0x0  }
0x5a: {  	[sflag:s30] =	ssyncadd.s32 $0xFFFFE000  }
0x5b: {  	_ =	swait.ge [sflag:s26], $0x80  }
0x5c: {  	[sflag:s26] =	ssyncset.done $0x0  }
0x5d: {  	[sflag:s26] =	ssyncadd.s32 $0xFFFFFF80  }
0x5e: {  	_ =	swait.ge [sflag:s26], $0x80  }
0x5f: {  	[sflag:s26] =	ssyncset.done $0x0  }
0x60: {  	[sflag:s26] =	ssyncadd.s32 $0xFFFFFF80  }
0x61: {  	[tilespmem:s21], [sflag:$0x1] =	stream.indirect.gather [hbm4b:s1+s28], $0x40, s3, s28, $0xb8;
	[tilespmem:$0xDF40] =	vst v63  }
0x62: {  	_ = 	snop  }
0x63: {  	[spmem:s2] =	stream.indirect.scatter.add.f32 [tilespmem:s31], [sflag:$0x3], $0x40, s29, s28, $0xb8;
	[tilespmem:$0xDF40] =	vst v63  }
0x64: {  	_ =	swait.ge [sflag:s22], $0x2000  }
0x65: {  	s4 =	simm.s32 $0x20;
	[sflag:s22] =	ssyncset.done $0x0  }
0x66: {  	s7 =	sadd.s32 $0x0, s17;
	s6 =	sadd.s32 $0x0, s18;
	[sflag:s22] =	ssyncadd.s32 $0xFFFFE000  }
0x67: {  	[tilespmem:s28], [sflag:$0x2] =	stream.linear.gather [hbm4b:s7+s3], $0x80, $0x38;
	[tilespmem:$0xDF40] =	vst v63  }
.LBB2_4:
0x68: {  	[tilespmem:s29], [sflag:$0x2] =	stream.linear.gather [hbm4b:s6+s3], $0x80, $0x38;
	[tilespmem:$0xDF40] =	vst v63  }
0x69: {  	s6 =	smov.u32 s4  }
0x6a: {  	p1 =	sne.s32 s4, $0x4C0;
	s4 =	sadd.s32 $0x20, s4;
	_ =	swait.ge [sflag:s30], $0x2000  }
0x6b: {  	[sflag:s30] =	ssyncset.done $0x0  }
0x6c: {  	[sflag:s30] =	ssyncadd.s32 $0xFFFFE000  }
0x6d: {  	_ =	swait.ge [sflag:s26], $0x80  }
0x6e: {  	[sflag:s26] =	ssyncset.done $0x0  }
0x6f: {  	[sflag:s26] =	ssyncadd.s32 $0xFFFFFF80  }
0x70: {  	_ =	swait.ge [sflag:s26], $0x80  }
0x71: {  	[sflag:s26] =	ssyncset.done $0x0  }
0x72: {  	[sflag:s26] =	ssyncadd.s32 $0xFFFFFF80  }
0x73: {  	[tilespmem:s31], [sflag:$0x1] =	stream.indirect.gather [hbm4b:s1+s28], $0x40, s28, s28, $0xb8;
	[tilespmem:$0xDF40] =	vst v63  }
0x74: {  	_ = 	snop  }
0x75: {  	[spmem:s2] =	stream.indirect.scatter.add.f32 [tilespmem:s21], [sflag:$0x3], $0x40, s23, s28, $0xb8;
	[tilespmem:$0xDF40] =	vst v63  }
0x76: {  	_ =	swait.ge [sflag:s22], $0x2000  }
0x77: {  	[sflag:s22] =	ssyncset.done $0x0  }
0x78: {  	s7 =	sadd.s32 s6, s19;
	[sflag:s22] =	ssyncadd.s32 $0xFFFFE000  }
0x79: {  	[tilespmem:s3], [sflag:$0x2] =	stream.linear.gather [hbm4b:s7+s3], $0x80, $0x38;
	[tilespmem:$0xDF40] =	vst v63  }
0x7a: {  	s7 =	sadd.s32 s6, s20  }
0x7b: {  	[tilespmem:s23], [sflag:$0x2] =	stream.linear.gather [hbm4b:s7+s3], $0x80, $0x38;
	[tilespmem:$0xDF40] =	vst v63  }
0x7c: {  	_ =	swait.ge [sflag:s30], $0x2000  }
0x7d: {  	[sflag:s30] =	ssyncset.done $0x0  }
0x7e: {  	[sflag:s30] =	ssyncadd.s32 $0xFFFFE000  }
0x7f: {  	_ =	swait.ge [sflag:s26], $0x80  }
0x80: {  	[sflag:s26] =	ssyncset.done $0x0  }
0x81: {  	[sflag:s26] =	ssyncadd.s32 $0xFFFFFF80  }
0x82: {  	_ =	swait.ge [sflag:s26], $0x80  }
0x83: {  	[sflag:s26] =	ssyncset.done $0x0  }
0x84: {  	[sflag:s26] =	ssyncadd.s32 $0xFFFFFF80  }
0x85: {  	[tilespmem:s21], [sflag:$0x1] =	stream.indirect.gather [hbm4b:s1+s28], $0x40, s3, s28, $0xb8;
	[tilespmem:$0xDF40] =	vst v63  }
0x86: {  	_ = 	snop  }
0x87: {  	[spmem:s2] =	stream.indirect.scatter.add.f32 [tilespmem:s31], [sflag:$0x3], $0x40, s29, s28, $0xb8;
	[tilespmem:$0xDF40] =	vst v63  }
.Ltmp1:
0x88: {  	_ =	swait.ge [sflag:s22], $0x2000;
	(pc) =	sbr.rel @p1 .LBB2_4-.Ltmp1, $4  }
0x89: {  	[sflag:s22] =	ssyncset.done $0x0  }
0x8a: {  	s7 =	sadd.s32 s6, s17;
	[sflag:s22] =	ssyncadd.s32 $0xFFFFE000  }
0x8b: {  	[tilespmem:s28], [sflag:$0x2] =	stream.linear.gather [hbm4b:s7+s3], $0x80, $0x38;
	[tilespmem:$0xDF40] =	vst v63  }
0x8c: {  	s6 =	sadd.s32 s6, s18  }
0x8d: {  	[tilespmem:s29], [sflag:$0x2] =	stream.linear.gather [hbm4b:s6+s3], $0x80, $0x38;
	[tilespmem:$0xDF40] =	vst v63  }
0x8e: {  	_ =	swait.ge [sflag:s30], $0x2000  }
0x8f: {  	[sflag:s30] =	ssyncset.done $0x0  }
0x90: {  	[sflag:s30] =	ssyncadd.s32 $0xFFFFE000  }
0x91: {  	_ =	swait.ge [sflag:s26], $0x80  }
0x92: {  	[sflag:s26] =	ssyncset.done $0x0  }
0x93: {  	[sflag:s26] =	ssyncadd.s32 $0xFFFFFF80  }
0x94: {  	_ =	swait.ge [sflag:s26], $0x80  }
0x95: {  	[sflag:s26] =	ssyncset.done $0x0  }
0x96: {  	[sflag:s26] =	ssyncadd.s32 $0xFFFFFF80  }
0x97: {  	[tilespmem:s31], [sflag:$0x1] =	stream.indirect.gather [hbm4b:s1+s28], $0x40, s28, s28, $0xb8;
	[tilespmem:$0xDF40] =	vst v63  }
0x98: {  	_ = 	snop  }
0x99: {  	[spmem:s2] =	stream.indirect.scatter.add.f32 [tilespmem:s21], [sflag:$0x3], $0x40, s23, s28, $0xb8;
	[tilespmem:$0xDF40] =	vst v63  }
0x9a: {  	_ =	swait.ge [sflag:s22], $0x2000  }
0x9b: {  	[sflag:s22] =	ssyncset.done $0x0  }
0x9c: {  	[sflag:s22] =	ssyncadd.s32 $0xFFFFE000  }
0x9d: {  	_ =	swait.ge [sflag:s30], $0x2000  }
0x9e: {  	[sflag:s30] =	ssyncset.done $0x0  }
0x9f: {  	[sflag:s30] =	ssyncadd.s32 $0xFFFFE000  }
0xa0: {  	[spmem:s2] =	stream.indirect.scatter.add.f32 [tilespmem:s31], [sflag:$0x3], $0x40, s29, s28, $0xb8;
	[tilespmem:$0xDF40] =	vst v63  }
0xa1: {  	_ =	swait.ge [sflag:s22], $0x2000  }
0xa2: {  	s4 =	stileid.u32;
	[sflag:s22] =	ssyncset.done $0x0  }
0xa3: {  	s4 =	sshll.u32 s4, $0x6;
	[sflag:s22] =	ssyncadd.s32 $0xFFFFE000  }
0xa4: {  	s4 =	sor.u32 $0x1C03, s4;
	[bflag:$0x0] =	sbarrier.arrive $0xFFFF  }
0xa5: {  	[hbm:s14], [sflag:s4] =	dma.local [spmem:s24], $0x1380  }
0xa6: {  	_ =	swait.ge [sflag:s22], $0x1380  }
0xa7: {  	s0 =	sadd.s32 $0x1, s0;
	[sflag:s22] =	ssyncset.done $0x0  }
0xa8: {  	p1 =	sne.s32 s0, s16;
	[sflag:s22] =	ssyncadd.s32 $0xFFFFEC80  }
0xa9: {  	[hbm:s15], [sflag:s4] =	dma.local @!p0 [spmem:s25], $0x80  }
.Ltmp2:
0xaa: {  	_ = 	snop;
	(pc) =	sbr.rel @p1 .LBB2_1-.Ltmp2, $4  }
0xab: {  	s4 =	simm.s32 @!p0 $0x3  }
0xac: {  	_ =	swait.ge @!p0 [sflag:s4], $0x80  }
0xad: {  	[sflag:s4] =	ssyncset.done @!p0 $0x0  }
0xae: {  	[sflag:s4] =	ssyncadd.s32 @!p0 $0xFFFFFF80  }
0xaf: {  	_ =	sfence.sel $0x180000  }
0xb0: {  	[bflag:$0x0] =	sbarrier.arrive $0xFFFF  }
0xb1: {  	_ =	strace $0x9000004A  }
0xb2: {  	[bflag:$0x2] =	sbarrier.arrive $0xFFFF  }
0xb3: {  	s0 =	rddreg [dreg:$0x3]  }
0xb4: {  	s0 =	sadd.s32 @!p0 $0x100000, s0  }
0xb5: {  	[sflag:s0] =	ssyncadd.tile.s32 @!p0 $0x1;
	_ =	shalt  }
.Lfunc_end2:
_tile_overlayer_lowered:
.L_overlay_start_2:
0xb6: {  	(tag) =	ssettag $0x2  }
0xb7: {  	s0 =	rddreg [dreg:$0x0];
	s2 =	stileid.u32  }
0xb8: {  	s1 =	rddreg [dreg:$0x1];
	p0 =	sne.s32 s2, $0x0  }
0xb9: {  	s3 =	rddreg [dreg:$0x2];
	[bflag:$0x3] =	sbarrier.arrive $0xFFFF;
	s2 =	simm.s32 @!p0 $0x1C03  }
0xba: {  	[timem:s3], [sflag:s2] =	dma.local @!p0 [hbm:s0], s1  }
0xbb: {  	s0 =	simm.s32 @!p0 $0x3  }
0xbc: {  	_ =	swait.ge @!p0 [sflag:s0], s1  }
0xbd: {  	s1 =	ssub.s32 @!p0 $0x0, s1;
	[sflag:s0] =	ssyncset.done @!p0 $0x0  }
0xbe: {  	[sflag:s0] =	ssyncadd.s32 @!p0 s1  }
0xbf: {  	[bflag:$0x3] =	sbarrier.arrive $0xFFFF  }
0xc0: {  	_ =	shalt  }

</sc_bundles>
